<compile_context>
chip_gen: v7x
topology: tpu7x:2x2x1
jax: 0.10.2.dev20260603
libtpu: 0.0.44.dev20260713+nightly
codegen_flags: <defaults>
</compile_context>

<pallas_src>
import functools

import jax
import jax.numpy as jnp
from jax import lax
from jax.experimental import pallas as pl
from jax.experimental.pallas import tpu as pltpu
from jax.experimental.pallas import tpu_sc as plsc

_NUM_FIELDS = 26
_VOCAB = 100000
_EMB = 64
_BATCH = 4096
_ROWS = _NUM_FIELDS * _EMB
_NW = 32
_PER_W = _ROWS // _NW
_LANES = 16
_NSLICE = _BATCH // _LANES
_H0 = 50048
_H1 = _VOCAB - _H0
_PAD = 2 * _LANES
_LCAP = _BATCH + _PAD

_mesh = plsc.VectorSubcoreMesh(core_axis_name="c", subcore_axis_name="s")


@functools.partial(
    pl.kernel,
    mesh=_mesh,
    out_type=jax.ShapeDtypeStruct((_ROWS, _BATCH), jnp.float32),
    scratch_types=[
        pltpu.VMEM((_H0,), jnp.float32),
        pltpu.VMEM((_H1,), jnp.float32),
        pltpu.VMEM((_BATCH,), jnp.int32),
        pltpu.VMEM((_LCAP,), jnp.int32),
        pltpu.VMEM((_LCAP,), jnp.int32),
        pltpu.VMEM((_LCAP,), jnp.int32),
        pltpu.VMEM((_LCAP,), jnp.int32),
        pltpu.VMEM((_BATCH + _PAD,), jnp.float32),
        pltpu.SemaphoreType.DMA,
        pltpu.SemaphoreType.DMA,
        pltpu.SemaphoreType.DMA,
    ],
    compiler_params=pltpu.CompilerParams(
        use_tc_tiling_on_sc=True, needs_layout_passes=False
    ),
)
def _emb_rows(
    x_t, table, out_t, b0, b1, idx_v, o0, q0, o1, q1, val_v, s0, s1, wsem
):
    wid = lax.axis_index("s") * 2 + lax.axis_index("c")
    r0 = wid * _PER_W
    lanes = lax.iota(jnp.int32, _LANES)

    def do_span(f, lo, hi):
        pltpu.sync_copy(x_t.at[f], idx_v)

        def pbody(t, ptrs):
            p0, p1 = ptrs
            iv = idx_v[pl.ds(t * _LANES, _LANES)]
            pos = t * _LANES + lanes
            m0 = iv < _H0
            m1 = ~m0
            plsc.store_compressed(o0.at[pl.ds(p0, _LANES)], iv, mask=m0)
            plsc.store_compressed(q0.at[pl.ds(p0, _LANES)], pos, mask=m0)
            plsc.store_compressed(o1.at[pl.ds(p1, _LANES)], iv - _H0, mask=m1)
            plsc.store_compressed(q1.at[pl.ds(p1, _LANES)], pos, mask=m1)
            c0 = jnp.sum(jnp.where(m0, 1, 0))
            return p0 + c0, p1 + (_LANES - c0)

        n0, n1 = lax.fori_loop(0, _NSLICE, pbody, (0, 0))
        zero16 = jnp.zeros((_LANES,), jnp.int32)
        for u in range(2):
            slack = _BATCH + u * _LANES + lanes
            o0[pl.ds(n0 + u * _LANES, _LANES)] = zero16
            q0[pl.ds(n0 + u * _LANES, _LANES)] = slack
            o1[pl.ds(n1 + u * _LANES, _LANES)] = zero16
            q1[pl.ds(n1 + u * _LANES, _LANES)] = slack

        def issue0(r):
            return pltpu.async_copy(table.at[r, pl.ds(0, _H0)], b0, s0)

        def issue1(r):
            return pltpu.async_copy(table.at[r, pl.ds(_H0, _H1)], b1, s1)

        issue0(lo)
        issue1(lo)

        def gpass(buf, offs, poss, n):
            def gbody(t, _):
                for u in range(2):
                    sl = pl.ds((2 * t + u) * _LANES, _LANES)
                    g = plsc.load_gather(buf, [offs[sl]])
                    plsc.store_scatter(val_v, [poss[sl]], g)
                return 0

            lax.fori_loop(0, (n + _PAD - 1) // _PAD, gbody, 0)

        def row_body(r, _):
            pltpu.make_async_copy(table.at[r, pl.ds(0, _H0)], b0, s0).wait()

            @pl.when(r > r0)
            def _():
                pltpu.make_async_copy(
                    val_v.at[pl.ds(0, _BATCH)], out_t.at[r - 1], wsem
                ).wait()

            gpass(b0, o0, q0, n0)

            @pl.when(r + 1 < hi)
            def _():
                issue0(r + 1)

            pltpu.make_async_copy(table.at[r, pl.ds(_H0, _H1)], b1, s1).wait()
            gpass(b1, o1, q1, n1)

            @pl.when(r + 1 < hi)
            def _():
                issue1(r + 1)

            pltpu.async_copy(val_v.at[pl.ds(0, _BATCH)], out_t.at[r], wsem)
            return 0

        lax.fori_loop(lo, hi, row_body, 0)

    f0 = r0 // _EMB
    mid = jnp.minimum(r0 + _PER_W, (f0 + 1) * _EMB)
    do_span(f0, r0, mid)

    @pl.when(mid < r0 + _PER_W)
    def _():
        do_span(f0 + 1, mid, r0 + _PER_W)

    pltpu.make_async_copy(
        val_v.at[pl.ds(0, _BATCH)], out_t.at[r0 + _PER_W - 1], wsem
    ).wait()


def kernel(x, tables):
    table2d = jnp.swapaxes(tables, 1, 2).reshape(_ROWS, _VOCAB)
    x_t = x.T
    out_t = _emb_rows(x_t, table2d)
    return out_t.T.reshape(_BATCH, _ROWS)

# --- scband reference (transcript-rebuilt; emitter-appended) ---
"""Pipeline reference for scband-entity-embedding-block-32152125177937 (READ-ONLY COPY).

The authoritative reference and input builder live on the scoring server;
editing this copy changes nothing except your own understanding.
"""

import jax, jax.numpy as jnp
import numpy as np

NUM_FIELDS = 26
VOCAB = 100000
EMB = 64
BATCH = 4096
CAT_IDX = list(range(NUM_FIELDS))


def setup_inputs(seed: int = 0) -> dict:
    key = jax.random.key(seed)
    kx, kt = jax.random.split(key)
    x = jax.random.randint(kx, (BATCH, NUM_FIELDS), 0, VOCAB, dtype=jnp.int32)
    # All 26 embedding tables have identical (VOCAB, EMB) shape, so stack them.
    tables = jax.random.normal(kt, (NUM_FIELDS, VOCAB, EMB), dtype=jnp.float32)
    return {"x": x, "tables": tables}


def reference(x, tables):
    # x_cat = x[:, cat_idx]
    x_cat = x[:, jnp.array(CAT_IDX)]
    # per-field embedding lookup, then concat along feature dim (matches torch forward)
    embeddings = [jnp.take(tables[i], x_cat[:, i], axis=0) for i in range(NUM_FIELDS)]
    return jnp.concatenate(embeddings, axis=1)

if __name__ == "__main__":
    import jax
    _d = setup_inputs()
    print(jax.jit(kernel)(*tuple(_d.values())))

</pallas_src>

<mosaic_0001>
#map = affine_map<(d0, d1) -> (0, 0)>
module attributes {stable_mosaic.version = 14 : i64} {
  func.func @_emb_rows(%arg0: i32, %arg1: i32, %arg2: memref<26x4096xi32, #tpu.memory_space<hbm>>, %arg3: memref<1664x100000xf32, #tpu.memory_space<hbm>>, %arg4: memref<1664x4096xf32, #tpu.memory_space<hbm>>, %arg5: memref<50048xf32, #tpu.memory_space<vmem>>, %arg6: memref<49952xf32, #tpu.memory_space<vmem>>, %arg7: memref<4096xi32, #tpu.memory_space<vmem>>, %arg8: memref<4128xi32, #tpu.memory_space<vmem>>, %arg9: memref<4128xi32, #tpu.memory_space<vmem>>, %arg10: memref<4128xi32, #tpu.memory_space<vmem>>, %arg11: memref<4128xi32, #tpu.memory_space<vmem>>, %arg12: memref<4128xf32, #tpu.memory_space<vmem>>, %arg13: memref<!tpu.dma_semaphore, #tpu.memory_space<semaphore_mem>>, %arg14: memref<!tpu.dma_semaphore, #tpu.memory_space<semaphore_mem>>, %arg15: memref<!tpu.dma_semaphore, #tpu.memory_space<semaphore_mem>>) attributes {dimension_semantics = [#tpu.dimension_semantics<core_parallel>, #tpu.dimension_semantics<subcore_parallel>], iteration_bounds = array<i64: 2, 16>, scalar_prefetch = 0 : i64, scratch_operands = 11 : i64, tpu.core_type = #tpu.core_type<sc_vector_subcore>, window_params = [{transform_indices = #map}, {transform_indices = #map}, {transform_indices = #map}]} {
    %mul3A = arith.constant 2 : i32
    %mul3A_0 = arith.muli %arg1, %mul3A : i32
    %add3A = arith.addi %mul3A_0, %arg0 : i32
    %mul3A_1 = arith.constant 52 : i32
    %mul3A_2 = arith.muli %add3A, %mul3A_1 : i32
    %iota3A = tpu.iota {dimensions = array<i32: 0>} : vector<16xi32>
    %jit3A = arith.constant 64 : i32
    %div3A = arith.divsi %mul3A_2, %jit3A : i32
    %sign3A = arith.constant 0 : i32
    %sign3A_3 = arith.cmpi sgt, %mul3A_2, %sign3A : i32
    %sign3A_4 = arith.extui %sign3A_3 : i1 to i32
    %sign3A_5 = arith.constant 0 : i32
    %sign3A_6 = arith.cmpi slt, %mul3A_2, %sign3A_5 : i32
    %sign3A_7 = arith.extui %sign3A_6 : i1 to i32
    %sign3A_8 = arith.subi %sign3A_4, %sign3A_7 : i32
    %sign3A_9 = arith.constant 0 : i32
    %sign3A_10 = arith.cmpi sgt, %jit3A, %sign3A_9 : i32
    %sign3A_11 = arith.extui %sign3A_10 : i1 to i32
    %sign3A_12 = arith.constant 0 : i32
    %sign3A_13 = arith.cmpi slt, %jit3A, %sign3A_12 : i32
    %sign3A_14 = arith.extui %sign3A_13 : i1 to i32
    %sign3A_15 = arith.subi %sign3A_11, %sign3A_14 : i32
    %ne3A = arith.cmpi ne, %sign3A_8, %sign3A_15 : i32
    %rem3A = arith.remsi %mul3A_2, %jit3A : i32
    %ne3A_16 = arith.constant 0 : i32
    %ne3A_17 = arith.cmpi ne, %rem3A, %ne3A_16 : i32
    %and3A = arith.andi %ne3A, %ne3A_17 : i1
    %sub3A = arith.constant 1 : i32
    %sub3A_18 = arith.subi %div3A, %sub3A : i32
    %select_n3A = arith.select %and3A, %sub3A_18, %div3A : i32
    %add3A_19 = arith.constant 52 : i32
    %add3A_20 = arith.addi %mul3A_2, %add3A_19 : i32
    %add3A_21 = arith.constant 1 : i32
    %add3A_22 = arith.addi %select_n3A, %add3A_21 : i32
    %mul3A_23 = arith.constant 64 : i32
    %mul3A_24 = arith.muli %add3A_22, %mul3A_23 : i32
    %min3A = arith.minsi %add3A_20, %mul3A_24 : i32
    "tpu.region"() ({
      %run_scoped3A = tpu.sem_alloc : memref<!tpu.dma_semaphore, #tpu.memory_space<semaphore_mem>>
      %dma_start3A_107 = arith.constant 0 : i32
      %dma_start3A_108 = tpu.memref_slice %arg2[%select_n3A, %dma_start3A_107] : memref<26x4096xi32, #tpu.memory_space<hbm>> -> memref<1x4096xi32, #tpu.memory_space<hbm>>
      %dma_start3A_109 = tpu.memref_squeeze %dma_start3A_108 : memref<1x4096xi32, #tpu.memory_space<hbm>> -> memref<4096xi32, #tpu.memory_space<hbm>>
      %dma_start3A_110 = arith.constant 0 : i32
      %dma_start3A_111 = tpu.memref_slice %arg2[%select_n3A, %dma_start3A_110] : memref<26x4096xi32, #tpu.memory_space<hbm>> -> memref<1x4096xi32, #tpu.memory_space<hbm>>
      %dma_start3A_112 = tpu.memref_squeeze %dma_start3A_111 : memref<1x4096xi32, #tpu.memory_space<hbm>> -> memref<4096xi32, #tpu.memory_space<hbm>>
      tpu.enqueue_dma source(%dma_start3A_112 : memref<4096xi32, #tpu.memory_space<hbm>>) target(%arg7 : memref<4096xi32, #tpu.memory_space<vmem>>) target_semaphore(%run_scoped3A : memref<!tpu.dma_semaphore, #tpu.memory_space<semaphore_mem>>)
      %dma_wait3A_113 = arith.constant 0 : i32
      %dma_wait3A_114 = tpu.memref_slice %arg2[%select_n3A, %dma_wait3A_113] : memref<26x4096xi32, #tpu.memory_space<hbm>> -> memref<1x4096xi32, #tpu.memory_space<hbm>>
      %dma_wait3A_115 = tpu.memref_squeeze %dma_wait3A_114 : memref<1x4096xi32, #tpu.memory_space<hbm>> -> memref<4096xi32, #tpu.memory_space<hbm>>
      %dma_wait3A_116 = arith.constant 0 : i32
      %dma_wait3A_117 = tpu.memref_slice %arg2[%select_n3A, %dma_wait3A_116] : memref<26x4096xi32, #tpu.memory_space<hbm>> -> memref<1x4096xi32, #tpu.memory_space<hbm>>
      %dma_wait3A_118 = tpu.memref_squeeze %dma_wait3A_117 : memref<1x4096xi32, #tpu.memory_space<hbm>> -> memref<4096xi32, #tpu.memory_space<hbm>>
      tpu.wait_dma2 semaphore(%run_scoped3A : memref<!tpu.dma_semaphore, #tpu.memory_space<semaphore_mem>>) src(%dma_wait3A_118 : memref<4096xi32, #tpu.memory_space<hbm>>) dst(%arg7 : memref<4096xi32, #tpu.memory_space<vmem>>)
      tpu.yield
    }) : () -> ()
    %scan3A = arith.constant 0 : i32
    %scan3A_25 = arith.constant 0 : i32
    %scan3A_26 = arith.constant 0 : i32
    %scan3A_27 = arith.constant 256 : i32
    %scan3A_28 = arith.addi %scan3A_26, %scan3A_27 : i32
    %scan3A_29 = arith.constant 1 : i32
    %scan3A_30:2 = scf.for %scan3A_107 = %scan3A_26 to %scan3A_28 step %scan3A_29 iter_args(%scan3A_108 = %scan3A, %scan3A_109 = %scan3A_25) -> (i32, i32)  : i32 {
      %mul3A_110 = arith.constant 16 : i32
      %mul3A_111 = arith.muli %scan3A_107, %mul3A_110 : i32
      %get3A = arith.index_cast %mul3A_111 : i32 to index
      %get3A_112 = tpu.vector_load %arg7[%get3A] {strides = array<i32>} : memref<4096xi32, #tpu.memory_space<vmem>>, vector<16xi32>,
      %mul3A_113 = arith.constant 16 : i32
      %mul3A_114 = arith.muli %scan3A_107, %mul3A_113 : i32
      %add3A_115 = vector.broadcast %mul3A_114 : i32 to vector<16xi32>
      %add3A_116 = arith.addi %add3A_115, %iota3A : vector<16xi32>
      %lt3A_117 = arith.constant 50048 : i32
      %lt3A_118 = vector.broadcast %lt3A_117 : i32 to vector<16xi32>
      %lt3A_119 = arith.cmpi slt, %get3A_112, %lt3A_118 : vector<16xi32>
      %not3A = arith.constant dense<true> : vector<16xi1>
      %not3A_120 = arith.xori %lt3A_119, %not3A : vector<16xi1>
      %swap3A_121 = arith.index_cast %scan3A_108 : i32 to index
      %swap3A_122 = tpu.vector_load %arg8[%swap3A_121] masked %lt3A_119 {strides = array<i32>} : memref<4128xi32, #tpu.memory_space<vmem>>, vector<16xi32>, vector<16xi1>
      tpu.vector_store %arg8[%swap3A_121], %get3A_112 masked %lt3A_119 {strides = array<i32>} : memref<4128xi32, #tpu.memory_space<vmem>>, vector<16xi32>, vector<16xi1>
      %swap3A_123 = arith.index_cast %scan3A_108 : i32 to index
      %swap3A_124 = tpu.vector_load %arg9[%swap3A_123] masked %lt3A_119 {strides = array<i32>} : memref<4128xi32, #tpu.memory_space<vmem>>, vector<16xi32>, vector<16xi1>
      tpu.vector_store %arg9[%swap3A_123], %add3A_116 masked %lt3A_119 {strides = array<i32>} : memref<4128xi32, #tpu.memory_space<vmem>>, vector<16xi32>, vector<16xi1>
      %sub3A_125 = arith.constant 50048 : i32
      %sub3A_126 = vector.broadcast %sub3A_125 : i32 to vector<16xi32>
      %sub3A_127 = arith.subi %get3A_112, %sub3A_126 : vector<16xi32>
      %swap3A_128 = arith.index_cast %scan3A_109 : i32 to index
      %swap3A_129 = tpu.vector_load %arg10[%swap3A_128] masked %not3A_120 {strides = array<i32>} : memref<4128xi32, #tpu.memory_space<vmem>>, vector<16xi32>, vector<16xi1>
      tpu.vector_store %arg10[%swap3A_128], %sub3A_127 masked %not3A_120 {strides = array<i32>} : memref<4128xi32, #tpu.memory_space<vmem>>, vector<16xi32>, vector<16xi1>
      %swap3A_130 = arith.index_cast %scan3A_109 : i32 to index
      %swap3A_131 = tpu.vector_load %arg11[%swap3A_130] masked %not3A_120 {strides = array<i32>} : memref<4128xi32, #tpu.memory_space<vmem>>, vector<16xi32>, vector<16xi1>
      tpu.vector_store %arg11[%swap3A_130], %add3A_116 masked %not3A_120 {strides = array<i32>} : memref<4128xi32, #tpu.memory_space<vmem>>, vector<16xi32>, vector<16xi1>
      %jit3A_132 = arith.constant 1 : i32
      %jit3A_133 = arith.constant 0 : i32
      %broadcast_in_dim3A_134 = vector.broadcast %jit3A_132 : i32 to vector<16xi32>
      %broadcast_in_dim3A_135 = vector.broadcast %jit3A_133 : i32 to vector<16xi32>
      %select_n3A_136 = arith.select %lt3A_119, %broadcast_in_dim3A_134, %broadcast_in_dim3A_135 : vector<16xi1>, vector<16xi32>
      %reduce_sum3A = arith.constant true
      %reduce_sum3A_137 = vector.broadcast %reduce_sum3A : i1 to vector<16xi1>
      %reduce_sum3A_138 = tpu.scan <sum>, %select_n3A_136 masked %reduce_sum3A_137 : vector<16xi32>, vector<16xi1> -> vector<16xi32>
      %reduce_sum3A_139 = vector.extract %reduce_sum3A_138[15] : i32 from vector<16xi32>
      %add3A_140 = arith.addi %scan3A_108, %reduce_sum3A_139 : i32
      %sub3A_141 = arith.constant 16 : i32
      %sub3A_142 = arith.subi %sub3A_141, %reduce_sum3A_139 : i32
      %add3A_143 = arith.addi %scan3A_109, %sub3A_142 : i32
      scf.yield %add3A_140, %add3A_143 : i32, i32
    }
    %scan3A_31 = arith.constant 256 : i32
    %broadcast_in_dim3A = arith.constant 0 : i32
    %broadcast_in_dim3A_32 = vector.broadcast %broadcast_in_dim3A : i32 to vector<16xi32>
    %add3A_33 = arith.constant 4096 : i32
    %add3A_34 = vector.broadcast %add3A_33 : i32 to vector<16xi32>
    %add3A_35 = arith.addi %add3A_34, %iota3A : vector<16xi32>
    %add3A_36 = arith.constant 0 : i32
    %add3A_37 = arith.addi %scan3A_30#0, %add3A_36 : i32
    %swap3A = arith.index_cast %add3A_37 : i32 to index
    %swap3A_38 = tpu.vector_load %arg8[%swap3A] {strides = array<i32>} : memref<4128xi32, #tpu.memory_space<vmem>>, vector<16xi32>,
    tpu.vector_store %arg8[%swap3A], %broadcast_in_dim3A_32 {strides = array<i32>} : memref<4128xi32, #tpu.memory_space<vmem>>, vector<16xi32>,
    %add3A_39 = arith.constant 0 : i32
    %add3A_40 = arith.addi %scan3A_30#0, %add3A_39 : i32
    %swap3A_41 = arith.index_cast %add3A_40 : i32 to index
    %swap3A_42 = tpu.vector_load %arg9[%swap3A_41] {strides = array<i32>} : memref<4128xi32, #tpu.memory_space<vmem>>, vector<16xi32>,
    tpu.vector_store %arg9[%swap3A_41], %add3A_35 {strides = array<i32>} : memref<4128xi32, #tpu.memory_space<vmem>>, vector<16xi32>,
    %add3A_43 = arith.constant 0 : i32
    %add3A_44 = arith.addi %scan3A_30#1, %add3A_43 : i32
    %swap3A_45 = arith.index_cast %add3A_44 : i32 to index
    %swap3A_46 = tpu.vector_load %arg10[%swap3A_45] {strides = array<i32>} : memref<4128xi32, #tpu.memory_space<vmem>>, vector<16xi32>,
    tpu.vector_store %arg10[%swap3A_45], %broadcast_in_dim3A_32 {strides = array<i32>} : memref<4128xi32, #tpu.memory_space<vmem>>, vector<16xi32>,
    %add3A_47 = arith.constant 0 : i32
    %add3A_48 = arith.addi %scan3A_30#1, %add3A_47 : i32
    %swap3A_49 = arith.index_cast %add3A_48 : i32 to index
    %swap3A_50 = tpu.vector_load %arg11[%swap3A_49] {strides = array<i32>} : memref<4128xi32, #tpu.memory_space<vmem>>, vector<16xi32>,
    tpu.vector_store %arg11[%swap3A_49], %add3A_35 {strides = array<i32>} : memref<4128xi32, #tpu.memory_space<vmem>>, vector<16xi32>,
    %add3A_51 = arith.constant 4112 : i32
    %add3A_52 = vector.broadcast %add3A_51 : i32 to vector<16xi32>
    %add3A_53 = arith.addi %add3A_52, %iota3A : vector<16xi32>
    %add3A_54 = arith.constant 16 : i32
    %add3A_55 = arith.addi %scan3A_30#0, %add3A_54 : i32
    %swap3A_56 = arith.index_cast %add3A_55 : i32 to index
    %swap3A_57 = tpu.vector_load %arg8[%swap3A_56] {strides = array<i32>} : memref<4128xi32, #tpu.memory_space<vmem>>, vector<16xi32>,
    tpu.vector_store %arg8[%swap3A_56], %broadcast_in_dim3A_32 {strides = array<i32>} : memref<4128xi32, #tpu.memory_space<vmem>>, vector<16xi32>,
    %add3A_58 = arith.constant 16 : i32
    %add3A_59 = arith.addi %scan3A_30#0, %add3A_58 : i32
    %swap3A_60 = arith.index_cast %add3A_59 : i32 to index
    %swap3A_61 = tpu.vector_load %arg9[%swap3A_60] {strides = array<i32>} : memref<4128xi32, #tpu.memory_space<vmem>>, vector<16xi32>,
    tpu.vector_store %arg9[%swap3A_60], %add3A_53 {strides = array<i32>} : memref<4128xi32, #tpu.memory_space<vmem>>, vector<16xi32>,
    %add3A_62 = arith.constant 16 : i32
    %add3A_63 = arith.addi %scan3A_30#1, %add3A_62 : i32
    %swap3A_64 = arith.index_cast %add3A_63 : i32 to index
    %swap3A_65 = tpu.vector_load %arg10[%swap3A_64] {strides = array<i32>} : memref<4128xi32, #tpu.memory_space<vmem>>, vector<16xi32>,
    tpu.vector_store %arg10[%swap3A_64], %broadcast_in_dim3A_32 {strides = array<i32>} : memref<4128xi32, #tpu.memory_space<vmem>>, vector<16xi32>,
    %add3A_66 = arith.constant 16 : i32
    %add3A_67 = arith.addi %scan3A_30#1, %add3A_66 : i32
    %swap3A_68 = arith.index_cast %add3A_67 : i32 to index
    %swap3A_69 = tpu.vector_load %arg11[%swap3A_68] {strides = array<i32>} : memref<4128xi32, #tpu.memory_space<vmem>>, vector<16xi32>,
    tpu.vector_store %arg11[%swap3A_68], %add3A_53 {strides = array<i32>} : memref<4128xi32, #tpu.memory_space<vmem>>, vector<16xi32>,
    %dma_start3A = arith.constant 0 : i32
    %dma_start3A_70 = tpu.memref_slice %arg3[%mul3A_2, %dma_start3A] : memref<1664x100000xf32, #tpu.memory_space<hbm>> -> memref<1x50048xf32, #tpu.memory_space<hbm>>
    %dma_start3A_71 = tpu.memref_squeeze %dma_start3A_70 : memref<1x50048xf32, #tpu.memory_space<hbm>> -> memref<50048xf32, #tpu.memory_space<hbm>>
    %dma_start3A_72 = arith.constant 0 : i32
    %dma_start3A_73 = tpu.memref_slice %arg3[%mul3A_2, %dma_start3A_72] : memref<1664x100000xf32, #tpu.memory_space<hbm>> -> memref<1x50048xf32, #tpu.memory_space<hbm>>
    %dma_start3A_74 = tpu.memref_squeeze %dma_start3A_73 : memref<1x50048xf32, #tpu.memory_space<hbm>> -> memref<50048xf32, #tpu.memory_space<hbm>>
    tpu.enqueue_dma source(%dma_start3A_74 : memref<50048xf32, #tpu.memory_space<hbm>>) target(%arg5 : memref<50048xf32, #tpu.memory_space<vmem>>) target_semaphore(%arg13 : memref<!tpu.dma_semaphore, #tpu.memory_space<semaphore_mem>>)
    %dma_start3A_75 = arith.constant 50048 : i32
    %dma_start3A_76 = tpu.memref_slice %arg3[%mul3A_2, %dma_start3A_75] : memref<1664x100000xf32, #tpu.memory_space<hbm>> -> memref<1x49952xf32, #tpu.memory_space<hbm>>
    %dma_start3A_77 = tpu.memref_squeeze %dma_start3A_76 : memref<1x49952xf32, #tpu.memory_space<hbm>> -> memref<49952xf32, #tpu.memory_space<hbm>>
    %dma_start3A_78 = arith.constant 50048 : i32
    %dma_start3A_79 = tpu.memref_slice %arg3[%mul3A_2, %dma_start3A_78] : memref<1664x100000xf32, #tpu.memory_space<hbm>> -> memref<1x49952xf32, #tpu.memory_space<hbm>>
    %dma_start3A_80 = tpu.memref_squeeze %dma_start3A_79 : memref<1x49952xf32, #tpu.memory_space<hbm>> -> memref<49952xf32, #tpu.memory_space<hbm>>
    tpu.enqueue_dma source(%dma_start3A_80 : memref<49952xf32, #tpu.memory_space<hbm>>) target(%arg6 : memref<49952xf32, #tpu.memory_space<vmem>>) target_semaphore(%arg14 : memref<!tpu.dma_semaphore, #tpu.memory_space<semaphore_mem>>)
    %while3A = arith.constant 0 : i32
    %while3A_81 = arith.subi %min3A, %mul3A_2 : i32
    %while3A_82 = arith.addi %mul3A_2, %while3A_81 : i32
    %while3A_83 = arith.constant 1 : i32
    %while3A_84 = arith.divsi %while3A_81, %while3A_83 : i32
    %while3A_85 = arith.muli %while3A_84, %while3A_83 : i32
    %while3A_86 = arith.addi %mul3A_2, %while3A_85 : i32
    %while3A_87 = arith.constant 1 : i32
    %while3A_88 = scf.for %while3A_107 = %mul3A_2 to %while3A_86 step %while3A_87 iter_args(%while3A_108 = %while3A) -> (i32)  : i32 {
      %dma_wait3A_109 = arith.constant 0 : i32
      %dma_wait3A_110 = tpu.memref_slice %arg3[%while3A_107, %dma_wait3A_109] : memref<1664x100000xf32, #tpu.memory_space<hbm>> -> memref<1x50048xf32, #tpu.memory_space<hbm>>
      %dma_wait3A_111 = tpu.memref_squeeze %dma_wait3A_110 : memref<1x50048xf32, #tpu.memory_space<hbm>> -> memref<50048xf32, #tpu.memory_space<hbm>>
      %dma_wait3A_112 = arith.constant 0 : i32
      %dma_wait3A_113 = tpu.memref_slice %arg3[%while3A_107, %dma_wait3A_112] : memref<1664x100000xf32, #tpu.memory_space<hbm>> -> memref<1x50048xf32, #tpu.memory_space<hbm>>
      %dma_wait3A_114 = tpu.memref_squeeze %dma_wait3A_113 : memref<1x50048xf32, #tpu.memory_space<hbm>> -> memref<50048xf32, #tpu.memory_space<hbm>>
      tpu.wait_dma2 semaphore(%arg13 : memref<!tpu.dma_semaphore, #tpu.memory_space<semaphore_mem>>) src(%dma_wait3A_114 : memref<50048xf32, #tpu.memory_space<hbm>>) dst(%arg5 : memref<50048xf32, #tpu.memory_space<vmem>>)
      %gt3A = arith.cmpi sgt, %while3A_107, %mul3A_2 : i32
      %convert_element_type3A_115 = arith.extui %gt3A : i1 to i32
      %cond3A_116 = arith.constant 0 : i32
      %cond3A_117 = arith.cmpi ne, %convert_element_type3A_115, %cond3A_116 : i32
      scf.if %cond3A_117 {
        %sub3A_227 = arith.constant 1 : i32
        %sub3A_228 = arith.subi %while3A_107, %sub3A_227 : i32
        %dma_wait3A_229 = arith.constant 0 : i32
        %dma_wait3A_230 = tpu.memref_slice %arg12[%dma_wait3A_229] : memref<4128xf32, #tpu.memory_space<vmem>> -> memref<4096xf32, #tpu.memory_space<vmem>>
        %dma_wait3A_231 = arith.constant 0 : i32
        %dma_wait3A_232 = tpu.memref_slice %arg4[%sub3A_228, %dma_wait3A_231] : memref<1664x4096xf32, #tpu.memory_space<hbm>> -> memref<1x4096xf32, #tpu.memory_space<hbm>>
        %dma_wait3A_233 = tpu.memref_squeeze %dma_wait3A_232 : memref<1x4096xf32, #tpu.memory_space<hbm>> -> memref<4096xf32, #tpu.memory_space<hbm>>
        %dma_wait3A_234 = arith.constant 0 : i32
        %dma_wait3A_235 = tpu.memref_slice %arg4[%sub3A_228, %dma_wait3A_234] : memref<1664x4096xf32, #tpu.memory_space<hbm>> -> memref<1x4096xf32, #tpu.memory_space<hbm>>
        %dma_wait3A_236 = tpu.memref_squeeze %dma_wait3A_235 : memref<1x4096xf32, #tpu.memory_space<hbm>> -> memref<4096xf32, #tpu.memory_space<hbm>>
        %dma_wait3A_237 = arith.constant 0 : i32
        %dma_wait3A_238 = tpu.memref_slice %arg12[%dma_wait3A_237] : memref<4128xf32, #tpu.memory_space<vmem>> -> memref<4096xf32, #tpu.memory_space<vmem>>
        tpu.wait_dma2 semaphore(%arg15 : memref<!tpu.dma_semaphore, #tpu.memory_space<semaphore_mem>>) src(%dma_wait3A_238 : memref<4096xf32, #tpu.memory_space<vmem>>) dst(%dma_wait3A_236 : memref<4096xf32, #tpu.memory_space<hbm>>)
      } else {
      }
      %add3A_118 = arith.constant 32 : i32
      %add3A_119 = arith.addi %scan3A_30#0, %add3A_118 : i32
      %sub3A_120 = arith.constant 1 : i32
      %sub3A_121 = arith.subi %add3A_119, %sub3A_120 : i32
      %jit3A_122 = arith.constant 32 : i32
      %div3A_123 = arith.divsi %sub3A_121, %jit3A_122 : i32
      %sign3A_124 = arith.constant 0 : i32
      %sign3A_125 = arith.cmpi sgt, %sub3A_121, %sign3A_124 : i32
      %sign3A_126 = arith.extui %sign3A_125 : i1 to i32
      %sign3A_127 = arith.constant 0 : i32
      %sign3A_128 = arith.cmpi slt, %sub3A_121, %sign3A_127 : i32
      %sign3A_129 = arith.extui %sign3A_128 : i1 to i32
      %sign3A_130 = arith.subi %sign3A_126, %sign3A_129 : i32
      %sign3A_131 = arith.constant 0 : i32
      %sign3A_132 = arith.cmpi sgt, %jit3A_122, %sign3A_131 : i32
      %sign3A_133 = arith.extui %sign3A_132 : i1 to i32
      %sign3A_134 = arith.constant 0 : i32
      %sign3A_135 = arith.cmpi slt, %jit3A_122, %sign3A_134 : i32
      %sign3A_136 = arith.extui %sign3A_135 : i1 to i32
      %sign3A_137 = arith.subi %sign3A_133, %sign3A_136 : i32
      %ne3A_138 = arith.cmpi ne, %sign3A_130, %sign3A_137 : i32
      %rem3A_139 = arith.remsi %sub3A_121, %jit3A_122 : i32
      %ne3A_140 = arith.constant 0 : i32
      %ne3A_141 = arith.cmpi ne, %rem3A_139, %ne3A_140 : i32
      %and3A_142 = arith.andi %ne3A_138, %ne3A_141 : i1
      %sub3A_143 = arith.constant 1 : i32
      %sub3A_144 = arith.subi %div3A_123, %sub3A_143 : i32
      %select_n3A_145 = arith.select %and3A_142, %sub3A_144, %div3A_123 : i32
      %while3A_146 = arith.constant 0 : i32
      %while3A_147 = arith.constant 0 : i32
      %while3A_148 = arith.subi %select_n3A_145, %while3A_146 : i32
      %while3A_149 = arith.addi %while3A_146, %while3A_148 : i32
      %while3A_150 = arith.constant 1 : i32
      %while3A_151 = arith.divsi %while3A_148, %while3A_150 : i32
      %while3A_152 = arith.muli %while3A_151, %while3A_150 : i32
      %while3A_153 = arith.addi %while3A_146, %while3A_152 : i32
      %while3A_154 = arith.constant 1 : i32
      %while3A_155 = scf.for %while3A_227 = %while3A_146 to %while3A_153 step %while3A_154 iter_args(%while3A_228 = %while3A_147) -> (i32)  : i32 {
        %mul3A_229 = arith.constant 2 : i32
        %mul3A_230 = arith.muli %mul3A_229, %while3A_227 : i32
        %add3A_231 = arith.constant 0 : i32
        %add3A_232 = arith.addi %mul3A_230, %add3A_231 : i32
        %mul3A_233 = arith.constant 16 : i32
        %mul3A_234 = arith.muli %add3A_232, %mul3A_233 : i32
        %get3A = arith.index_cast %mul3A_234 : i32 to index
        %get3A_235 = tpu.vector_load %arg8[%get3A] {strides = array<i32>} : memref<4128xi32, #tpu.memory_space<vmem>>, vector<16xi32>,
        %gather3A = tpu.vector_load_idx %arg5[%get3A_235] : memref<50048xf32, #tpu.memory_space<vmem>>[vector<16xi32>], vector<16xf32>,
        %get3A_236 = arith.index_cast %mul3A_234 : i32 to index
        %get3A_237 = tpu.vector_load %arg9[%get3A_236] {strides = array<i32>} : memref<4128xi32, #tpu.memory_space<vmem>>, vector<16xi32>,
        tpu.vector_store_idx %arg12[%get3A_237], %gather3A : memref<4128xf32, #tpu.memory_space<vmem>>[vector<16xi32>], vector<16xf32>,
        %mul3A_238 = arith.constant 2 : i32
        %mul3A_239 = arith.muli %mul3A_238, %while3A_227 : i32
        %add3A_240 = arith.constant 1 : i32
        %add3A_241 = arith.addi %mul3A_239, %add3A_240 : i32
        %mul3A_242 = arith.constant 16 : i32
        %mul3A_243 = arith.muli %add3A_241, %mul3A_242 : i32
        %get3A_244 = arith.index_cast %mul3A_243 : i32 to index
        %get3A_245 = tpu.vector_load %arg8[%get3A_244] {strides = array<i32>} : memref<4128xi32, #tpu.memory_space<vmem>>, vector<16xi32>,
        %gather3A_246 = tpu.vector_load_idx %arg5[%get3A_245] : memref<50048xf32, #tpu.memory_space<vmem>>[vector<16xi32>], vector<16xf32>,
        %get3A_247 = arith.index_cast %mul3A_243 : i32 to index
        %get3A_248 = tpu.vector_load %arg9[%get3A_247] {strides = array<i32>} : memref<4128xi32, #tpu.memory_space<vmem>>, vector<16xi32>,
        tpu.vector_store_idx %arg12[%get3A_248], %gather3A_246 : memref<4128xf32, #tpu.memory_space<vmem>>[vector<16xi32>], vector<16xf32>,
        %while3A_249 = arith.constant 0 : i32
        scf.yield %while3A_249 : i32
      }
      %while3A_156 = arith.constant 1 : i32
      %while3A_157 = scf.for %while3A_227 = %while3A_153 to %while3A_149 step %while3A_156 iter_args(%while3A_228 = %while3A_155) -> (i32)  : i32 {
        %mul3A_229 = arith.constant 2 : i32
        %mul3A_230 = arith.muli %mul3A_229, %while3A_227 : i32
        %add3A_231 = arith.constant 0 : i32
        %add3A_232 = arith.addi %mul3A_230, %add3A_231 : i32
        %mul3A_233 = arith.constant 16 : i32
        %mul3A_234 = arith.muli %add3A_232, %mul3A_233 : i32
        %get3A = arith.index_cast %mul3A_234 : i32 to index
        %get3A_235 = tpu.vector_load %arg8[%get3A] {strides = array<i32>} : memref<4128xi32, #tpu.memory_space<vmem>>, vector<16xi32>,
        %gather3A = tpu.vector_load_idx %arg5[%get3A_235] : memref<50048xf32, #tpu.memory_space<vmem>>[vector<16xi32>], vector<16xf32>,
        %get3A_236 = arith.index_cast %mul3A_234 : i32 to index
        %get3A_237 = tpu.vector_load %arg9[%get3A_236] {strides = array<i32>} : memref<4128xi32, #tpu.memory_space<vmem>>, vector<16xi32>,
        tpu.vector_store_idx %arg12[%get3A_237], %gather3A : memref<4128xf32, #tpu.memory_space<vmem>>[vector<16xi32>], vector<16xf32>,
        %mul3A_238 = arith.constant 2 : i32
        %mul3A_239 = arith.muli %mul3A_238, %while3A_227 : i32
        %add3A_240 = arith.constant 1 : i32
        %add3A_241 = arith.addi %mul3A_239, %add3A_240 : i32
        %mul3A_242 = arith.constant 16 : i32
        %mul3A_243 = arith.muli %add3A_241, %mul3A_242 : i32
        %get3A_244 = arith.index_cast %mul3A_243 : i32 to index
        %get3A_245 = tpu.vector_load %arg8[%get3A_244] {strides = array<i32>} : memref<4128xi32, #tpu.memory_space<vmem>>, vector<16xi32>,
        %gather3A_246 = tpu.vector_load_idx %arg5[%get3A_245] : memref<50048xf32, #tpu.memory_space<vmem>>[vector<16xi32>], vector<16xf32>,
        %get3A_247 = arith.index_cast %mul3A_243 : i32 to index
        %get3A_248 = tpu.vector_load %arg9[%get3A_247] {strides = array<i32>} : memref<4128xi32, #tpu.memory_space<vmem>>, vector<16xi32>,
        tpu.vector_store_idx %arg12[%get3A_248], %gather3A_246 : memref<4128xf32, #tpu.memory_space<vmem>>[vector<16xi32>], vector<16xf32>,
        %while3A_249 = arith.constant 0 : i32
        scf.yield %while3A_249 : i32
      }
      %add3A_158 = arith.constant 1 : i32
      %add3A_159 = arith.addi %while3A_107, %add3A_158 : i32
      %lt3A_160 = arith.cmpi slt, %add3A_159, %min3A : i32
      %convert_element_type3A_161 = arith.extui %lt3A_160 : i1 to i32
      %cond3A_162 = arith.constant 0 : i32
      %cond3A_163 = arith.cmpi ne, %convert_element_type3A_161, %cond3A_162 : i32
      scf.if %cond3A_163 {
        %add3A_227 = arith.constant 1 : i32
        %add3A_228 = arith.addi %while3A_107, %add3A_227 : i32
        %dma_start3A_229 = arith.constant 0 : i32
        %dma_start3A_230 = tpu.memref_slice %arg3[%add3A_228, %dma_start3A_229] : memref<1664x100000xf32, #tpu.memory_space<hbm>> -> memref<1x50048xf32, #tpu.memory_space<hbm>>
        %dma_start3A_231 = tpu.memref_squeeze %dma_start3A_230 : memref<1x50048xf32, #tpu.memory_space<hbm>> -> memref<50048xf32, #tpu.memory_space<hbm>>
        %dma_start3A_232 = arith.constant 0 : i32
        %dma_start3A_233 = tpu.memref_slice %arg3[%add3A_228, %dma_start3A_232] : memref<1664x100000xf32, #tpu.memory_space<hbm>> -> memref<1x50048xf32, #tpu.memory_space<hbm>>
        %dma_start3A_234 = tpu.memref_squeeze %dma_start3A_233 : memref<1x50048xf32, #tpu.memory_space<hbm>> -> memref<50048xf32, #tpu.memory_space<hbm>>
        tpu.enqueue_dma source(%dma_start3A_234 : memref<50048xf32, #tpu.memory_space<hbm>>) target(%arg5 : memref<50048xf32, #tpu.memory_space<vmem>>) target_semaphore(%arg13 : memref<!tpu.dma_semaphore, #tpu.memory_space<semaphore_mem>>)
      } else {
      }
      %dma_wait3A_164 = arith.constant 50048 : i32
      %dma_wait3A_165 = tpu.memref_slice %arg3[%while3A_107, %dma_wait3A_164] : memref<1664x100000xf32, #tpu.memory_space<hbm>> -> memref<1x49952xf32, #tpu.memory_space<hbm>>
      %dma_wait3A_166 = tpu.memref_squeeze %dma_wait3A_165 : memref<1x49952xf32, #tpu.memory_space<hbm>> -> memref<49952xf32, #tpu.memory_space<hbm>>
      %dma_wait3A_167 = arith.constant 50048 : i32
      %dma_wait3A_168 = tpu.memref_slice %arg3[%while3A_107, %dma_wait3A_167] : memref<1664x100000xf32, #tpu.memory_space<hbm>> -> memref<1x49952xf32, #tpu.memory_space<hbm>>
      %dma_wait3A_169 = tpu.memref_squeeze %dma_wait3A_168 : memref<1x49952xf32, #tpu.memory_space<hbm>> -> memref<49952xf32, #tpu.memory_space<hbm>>
      tpu.wait_dma2 semaphore(%arg14 : memref<!tpu.dma_semaphore, #tpu.memory_space<semaphore_mem>>) src(%dma_wait3A_169 : memref<49952xf32, #tpu.memory_space<hbm>>) dst(%arg6 : memref<49952xf32, #tpu.memory_space<vmem>>)
      %add3A_170 = arith.constant 32 : i32
      %add3A_171 = arith.addi %scan3A_30#1, %add3A_170 : i32
      %sub3A_172 = arith.constant 1 : i32
      %sub3A_173 = arith.subi %add3A_171, %sub3A_172 : i32
      %jit3A_174 = arith.constant 32 : i32
      %div3A_175 = arith.divsi %sub3A_173, %jit3A_174 : i32
      %sign3A_176 = arith.constant 0 : i32
      %sign3A_177 = arith.cmpi sgt, %sub3A_173, %sign3A_176 : i32
      %sign3A_178 = arith.extui %sign3A_177 : i1 to i32
      %sign3A_179 = arith.constant 0 : i32
      %sign3A_180 = arith.cmpi slt, %sub3A_173, %sign3A_179 : i32
      %sign3A_181 = arith.extui %sign3A_180 : i1 to i32
      %sign3A_182 = arith.subi %sign3A_178, %sign3A_181 : i32
      %sign3A_183 = arith.constant 0 : i32
      %sign3A_184 = arith.cmpi sgt, %jit3A_174, %sign3A_183 : i32
      %sign3A_185 = arith.extui %sign3A_184 : i1 to i32
      %sign3A_186 = arith.constant 0 : i32
      %sign3A_187 = arith.cmpi slt, %jit3A_174, %sign3A_186 : i32
      %sign3A_188 = arith.extui %sign3A_187 : i1 to i32
      %sign3A_189 = arith.subi %sign3A_185, %sign3A_188 : i32
      %ne3A_190 = arith.cmpi ne, %sign3A_182, %sign3A_189 : i32
      %rem3A_191 = arith.remsi %sub3A_173, %jit3A_174 : i32
      %ne3A_192 = arith.constant 0 : i32
      %ne3A_193 = arith.cmpi ne, %rem3A_191, %ne3A_192 : i32
      %and3A_194 = arith.andi %ne3A_190, %ne3A_193 : i1
      %sub3A_195 = arith.constant 1 : i32
      %sub3A_196 = arith.subi %div3A_175, %sub3A_195 : i32
      %select_n3A_197 = arith.select %and3A_194, %sub3A_196, %div3A_175 : i32
      %while3A_198 = arith.constant 0 : i32
      %while3A_199 = arith.constant 0 : i32
      %while3A_200 = arith.subi %select_n3A_197, %while3A_198 : i32
      %while3A_201 = arith.addi %while3A_198, %while3A_200 : i32
      %while3A_202 = arith.constant 1 : i32
      %while3A_203 = arith.divsi %while3A_200, %while3A_202 : i32
      %while3A_204 = arith.muli %while3A_203, %while3A_202 : i32
      %while3A_205 = arith.addi %while3A_198, %while3A_204 : i32
      %while3A_206 = arith.constant 1 : i32
      %while3A_207 = scf.for %while3A_227 = %while3A_198 to %while3A_205 step %while3A_206 iter_args(%while3A_228 = %while3A_199) -> (i32)  : i32 {
        %mul3A_229 = arith.constant 2 : i32
        %mul3A_230 = arith.muli %mul3A_229, %while3A_227 : i32
        %add3A_231 = arith.constant 0 : i32
        %add3A_232 = arith.addi %mul3A_230, %add3A_231 : i32
        %mul3A_233 = arith.constant 16 : i32
        %mul3A_234 = arith.muli %add3A_232, %mul3A_233 : i32
        %get3A = arith.index_cast %mul3A_234 : i32 to index
        %get3A_235 = tpu.vector_load %arg10[%get3A] {strides = array<i32>} : memref<4128xi32, #tpu.memory_space<vmem>>, vector<16xi32>,
        %gather3A = tpu.vector_load_idx %arg6[%get3A_235] : memref<49952xf32, #tpu.memory_space<vmem>>[vector<16xi32>], vector<16xf32>,
        %get3A_236 = arith.index_cast %mul3A_234 : i32 to index
        %get3A_237 = tpu.vector_load %arg11[%get3A_236] {strides = array<i32>} : memref<4128xi32, #tpu.memory_space<vmem>>, vector<16xi32>,
        tpu.vector_store_idx %arg12[%get3A_237], %gather3A : memref<4128xf32, #tpu.memory_space<vmem>>[vector<16xi32>], vector<16xf32>,
        %mul3A_238 = arith.constant 2 : i32
        %mul3A_239 = arith.muli %mul3A_238, %while3A_227 : i32
        %add3A_240 = arith.constant 1 : i32
        %add3A_241 = arith.addi %mul3A_239, %add3A_240 : i32
        %mul3A_242 = arith.constant 16 : i32
        %mul3A_243 = arith.muli %add3A_241, %mul3A_242 : i32
        %get3A_244 = arith.index_cast %mul3A_243 : i32 to index
        %get3A_245 = tpu.vector_load %arg10[%get3A_244] {strides = array<i32>} : memref<4128xi32, #tpu.memory_space<vmem>>, vector<16xi32>,
        %gather3A_246 = tpu.vector_load_idx %arg6[%get3A_245] : memref<49952xf32, #tpu.memory_space<vmem>>[vector<16xi32>], vector<16xf32>,
        %get3A_247 = arith.index_cast %mul3A_243 : i32 to index
        %get3A_248 = tpu.vector_load %arg11[%get3A_247] {strides = array<i32>} : memref<4128xi32, #tpu.memory_space<vmem>>, vector<16xi32>,
        tpu.vector_store_idx %arg12[%get3A_248], %gather3A_246 : memref<4128xf32, #tpu.memory_space<vmem>>[vector<16xi32>], vector<16xf32>,
        %while3A_249 = arith.constant 0 : i32
        scf.yield %while3A_249 : i32
      }
      %while3A_208 = arith.constant 1 : i32
      %while3A_209 = scf.for %while3A_227 = %while3A_205 to %while3A_201 step %while3A_208 iter_args(%while3A_228 = %while3A_207) -> (i32)  : i32 {
        %mul3A_229 = arith.constant 2 : i32
        %mul3A_230 = arith.muli %mul3A_229, %while3A_227 : i32
        %add3A_231 = arith.constant 0 : i32
        %add3A_232 = arith.addi %mul3A_230, %add3A_231 : i32
        %mul3A_233 = arith.constant 16 : i32
        %mul3A_234 = arith.muli %add3A_232, %mul3A_233 : i32
        %get3A = arith.index_cast %mul3A_234 : i32 to index
        %get3A_235 = tpu.vector_load %arg10[%get3A] {strides = array<i32>} : memref<4128xi32, #tpu.memory_space<vmem>>, vector<16xi32>,
        %gather3A = tpu.vector_load_idx %arg6[%get3A_235] : memref<49952xf32, #tpu.memory_space<vmem>>[vector<16xi32>], vector<16xf32>,
        %get3A_236 = arith.index_cast %mul3A_234 : i32 to index
        %get3A_237 = tpu.vector_load %arg11[%get3A_236] {strides = array<i32>} : memref<4128xi32, #tpu.memory_space<vmem>>, vector<16xi32>,
        tpu.vector_store_idx %arg12[%get3A_237], %gather3A : memref<4128xf32, #tpu.memory_space<vmem>>[vector<16xi32>], vector<16xf32>,
        %mul3A_238 = arith.constant 2 : i32
        %mul3A_239 = arith.muli %mul3A_238, %while3A_227 : i32
        %add3A_240 = arith.constant 1 : i32
        %add3A_241 = arith.addi %mul3A_239, %add3A_240 : i32
        %mul3A_242 = arith.constant 16 : i32
        %mul3A_243 = arith.muli %add3A_241, %mul3A_242 : i32
        %get3A_244 = arith.index_cast %mul3A_243 : i32 to index
        %get3A_245 = tpu.vector_load %arg10[%get3A_244] {strides = array<i32>} : memref<4128xi32, #tpu.memory_space<vmem>>, vector<16xi32>,
        %gather3A_246 = tpu.vector_load_idx %arg6[%get3A_245] : memref<49952xf32, #tpu.memory_space<vmem>>[vector<16xi32>], vector<16xf32>,
        %get3A_247 = arith.index_cast %mul3A_243 : i32 to index
        %get3A_248 = tpu.vector_load %arg11[%get3A_247] {strides = array<i32>} : memref<4128xi32, #tpu.memory_space<vmem>>, vector<16xi32>,
        tpu.vector_store_idx %arg12[%get3A_248], %gather3A_246 : memref<4128xf32, #tpu.memory_space<vmem>>[vector<16xi32>], vector<16xf32>,
        %while3A_249 = arith.constant 0 : i32
        scf.yield %while3A_249 : i32
      }
      %add3A_210 = arith.constant 1 : i32
      %add3A_211 = arith.addi %while3A_107, %add3A_210 : i32
      %lt3A_212 = arith.cmpi slt, %add3A_211, %min3A : i32
      %convert_element_type3A_213 = arith.extui %lt3A_212 : i1 to i32
      %cond3A_214 = arith.constant 0 : i32
      %cond3A_215 = arith.cmpi ne, %convert_element_type3A_213, %cond3A_214 : i32
      scf.if %cond3A_215 {
        %add3A_227 = arith.constant 1 : i32
        %add3A_228 = arith.addi %while3A_107, %add3A_227 : i32
        %dma_start3A_229 = arith.constant 50048 : i32
        %dma_start3A_230 = tpu.memref_slice %arg3[%add3A_228, %dma_start3A_229] : memref<1664x100000xf32, #tpu.memory_space<hbm>> -> memref<1x49952xf32, #tpu.memory_space<hbm>>
        %dma_start3A_231 = tpu.memref_squeeze %dma_start3A_230 : memref<1x49952xf32, #tpu.memory_space<hbm>> -> memref<49952xf32, #tpu.memory_space<hbm>>
        %dma_start3A_232 = arith.constant 50048 : i32
        %dma_start3A_233 = tpu.memref_slice %arg3[%add3A_228, %dma_start3A_232] : memref<1664x100000xf32, #tpu.memory_space<hbm>> -> memref<1x49952xf32, #tpu.memory_space<hbm>>
        %dma_start3A_234 = tpu.memref_squeeze %dma_start3A_233 : memref<1x49952xf32, #tpu.memory_space<hbm>> -> memref<49952xf32, #tpu.memory_space<hbm>>
        tpu.enqueue_dma source(%dma_start3A_234 : memref<49952xf32, #tpu.memory_space<hbm>>) target(%arg6 : memref<49952xf32, #tpu.memory_space<vmem>>) target_semaphore(%arg14 : memref<!tpu.dma_semaphore, #tpu.memory_space<semaphore_mem>>)
      } else {
      }
      %dma_start3A_216 = arith.constant 0 : i32
      %dma_start3A_217 = tpu.memref_slice %arg12[%dma_start3A_216] : memref<4128xf32, #tpu.memory_space<vmem>> -> memref<4096xf32, #tpu.memory_space<vmem>>
      %dma_start3A_218 = arith.constant 0 : i32
      %dma_start3A_219 = tpu.memref_slice %arg4[%while3A_107, %dma_start3A_218] : memref<1664x4096xf32, #tpu.memory_space<hbm>> -> memref<1x4096xf32, #tpu.memory_space<hbm>>
      %dma_start3A_220 = tpu.memref_squeeze %dma_start3A_219 : memref<1x4096xf32, #tpu.memory_space<hbm>> -> memref<4096xf32, #tpu.memory_space<hbm>>
      %dma_start3A_221 = arith.constant 0 : i32
      %dma_start3A_222 = tpu.memref_slice %arg4[%while3A_107, %dma_start3A_221] : memref<1664x4096xf32, #tpu.memory_space<hbm>> -> memref<1x4096xf32, #tpu.memory_space<hbm>>
      %dma_start3A_223 = tpu.memref_squeeze %dma_start3A_222 : memref<1x4096xf32, #tpu.memory_space<hbm>> -> memref<4096xf32, #tpu.memory_space<hbm>>
      %dma_start3A_224 = arith.constant 0 : i32
      %dma_start3A_225 = tpu.memref_slice %arg12[%dma_start3A_224] : memref<4128xf32, #tpu.memory_space<vmem>> -> memref<4096xf32, #tpu.memory_space<vmem>>
      tpu.enqueue_dma source(%dma_start3A_225 : memref<4096xf32, #tpu.memory_space<vmem>>) target(%dma_start3A_223 : memref<4096xf32, #tpu.memory_space<hbm>>) target_semaphore(%arg15 : memref<!tpu.dma_semaphore, #tpu.memory_space<semaphore_mem>>)
      %while3A_226 = arith.constant 0 : i32
      scf.yield %while3A_226 : i32
    }
    %while3A_89 = arith.constant 1 : i32
    %while3A_90 = scf.for %while3A_107 = %while3A_86 to %while3A_82 step %while3A_89 iter_args(%while3A_108 = %while3A_88) -> (i32)  : i32 {
      %dma_wait3A_109 = arith.constant 0 : i32
      %dma_wait3A_110 = tpu.memref_slice %arg3[%while3A_107, %dma_wait3A_109] : memref<1664x100000xf32, #tpu.memory_space<hbm>> -> memref<1x50048xf32, #tpu.memory_space<hbm>>
      %dma_wait3A_111 = tpu.memref_squeeze %dma_wait3A_110 : memref<1x50048xf32, #tpu.memory_space<hbm>> -> memref<50048xf32, #tpu.memory_space<hbm>>
      %dma_wait3A_112 = arith.constant 0 : i32
      %dma_wait3A_113 = tpu.memref_slice %arg3[%while3A_107, %dma_wait3A_112] : memref<1664x100000xf32, #tpu.memory_space<hbm>> -> memref<1x50048xf32, #tpu.memory_space<hbm>>
      %dma_wait3A_114 = tpu.memref_squeeze %dma_wait3A_113 : memref<1x50048xf32, #tpu.memory_space<hbm>> -> memref<50048xf32, #tpu.memory_space<hbm>>
      tpu.wait_dma2 semaphore(%arg13 : memref<!tpu.dma_semaphore, #tpu.memory_space<semaphore_mem>>) src(%dma_wait3A_114 : memref<50048xf32, #tpu.memory_space<hbm>>) dst(%arg5 : memref<50048xf32, #tpu.memory_space<vmem>>)
      %gt3A = arith.cmpi sgt, %while3A_107, %mul3A_2 : i32
      %convert_element_type3A_115 = arith.extui %gt3A : i1 to i32
      %cond3A_116 = arith.constant 0 : i32
      %cond3A_117 = arith.cmpi ne, %convert_element_type3A_115, %cond3A_116 : i32
      scf.if %cond3A_117 {
        %sub3A_227 = arith.constant 1 : i32
        %sub3A_228 = arith.subi %while3A_107, %sub3A_227 : i32
        %dma_wait3A_229 = arith.constant 0 : i32
        %dma_wait3A_230 = tpu.memref_slice %arg12[%dma_wait3A_229] : memref<4128xf32, #tpu.memory_space<vmem>> -> memref<4096xf32, #tpu.memory_space<vmem>>
        %dma_wait3A_231 = arith.constant 0 : i32
        %dma_wait3A_232 = tpu.memref_slice %arg4[%sub3A_228, %dma_wait3A_231] : memref<1664x4096xf32, #tpu.memory_space<hbm>> -> memref<1x4096xf32, #tpu.memory_space<hbm>>
        %dma_wait3A_233 = tpu.memref_squeeze %dma_wait3A_232 : memref<1x4096xf32, #tpu.memory_space<hbm>> -> memref<4096xf32, #tpu.memory_space<hbm>>
        %dma_wait3A_234 = arith.constant 0 : i32
        %dma_wait3A_235 = tpu.memref_slice %arg4[%sub3A_228, %dma_wait3A_234] : memref<1664x4096xf32, #tpu.memory_space<hbm>> -> memref<1x4096xf32, #tpu.memory_space<hbm>>
        %dma_wait3A_236 = tpu.memref_squeeze %dma_wait3A_235 : memref<1x4096xf32, #tpu.memory_space<hbm>> -> memref<4096xf32, #tpu.memory_space<hbm>>
        %dma_wait3A_237 = arith.constant 0 : i32
        %dma_wait3A_238 = tpu.memref_slice %arg12[%dma_wait3A_237] : memref<4128xf32, #tpu.memory_space<vmem>> -> memref<4096xf32, #tpu.memory_space<vmem>>
        tpu.wait_dma2 semaphore(%arg15 : memref<!tpu.dma_semaphore, #tpu.memory_space<semaphore_mem>>) src(%dma_wait3A_238 : memref<4096xf32, #tpu.memory_space<vmem>>) dst(%dma_wait3A_236 : memref<4096xf32, #tpu.memory_space<hbm>>)
      } else {
      }
      %add3A_118 = arith.constant 32 : i32
      %add3A_119 = arith.addi %scan3A_30#0, %add3A_118 : i32
      %sub3A_120 = arith.constant 1 : i32
      %sub3A_121 = arith.subi %add3A_119, %sub3A_120 : i32
      %jit3A_122 = arith.constant 32 : i32
      %div3A_123 = arith.divsi %sub3A_121, %jit3A_122 : i32
      %sign3A_124 = arith.constant 0 : i32
      %sign3A_125 = arith.cmpi sgt, %sub3A_121, %sign3A_124 : i32
      %sign3A_126 = arith.extui %sign3A_125 : i1 to i32
      %sign3A_127 = arith.constant 0 : i32
      %sign3A_128 = arith.cmpi slt, %sub3A_121, %sign3A_127 : i32
      %sign3A_129 = arith.extui %sign3A_128 : i1 to i32
      %sign3A_130 = arith.subi %sign3A_126, %sign3A_129 : i32
      %sign3A_131 = arith.constant 0 : i32
      %sign3A_132 = arith.cmpi sgt, %jit3A_122, %sign3A_131 : i32
      %sign3A_133 = arith.extui %sign3A_132 : i1 to i32
      %sign3A_134 = arith.constant 0 : i32
      %sign3A_135 = arith.cmpi slt, %jit3A_122, %sign3A_134 : i32
      %sign3A_136 = arith.extui %sign3A_135 : i1 to i32
      %sign3A_137 = arith.subi %sign3A_133, %sign3A_136 : i32
      %ne3A_138 = arith.cmpi ne, %sign3A_130, %sign3A_137 : i32
      %rem3A_139 = arith.remsi %sub3A_121, %jit3A_122 : i32
      %ne3A_140 = arith.constant 0 : i32
      %ne3A_141 = arith.cmpi ne, %rem3A_139, %ne3A_140 : i32
      %and3A_142 = arith.andi %ne3A_138, %ne3A_141 : i1
      %sub3A_143 = arith.constant 1 : i32
      %sub3A_144 = arith.subi %div3A_123, %sub3A_143 : i32
      %select_n3A_145 = arith.select %and3A_142, %sub3A_144, %div3A_123 : i32
      %while3A_146 = arith.constant 0 : i32
      %while3A_147 = arith.constant 0 : i32
      %while3A_148 = arith.subi %select_n3A_145, %while3A_146 : i32
      %while3A_149 = arith.addi %while3A_146, %while3A_148 : i32
      %while3A_150 = arith.constant 1 : i32
      %while3A_151 = arith.divsi %while3A_148, %while3A_150 : i32
      %while3A_152 = arith.muli %while3A_151, %while3A_150 : i32
      %while3A_153 = arith.addi %while3A_146, %while3A_152 : i32
      %while3A_154 = arith.constant 1 : i32
      %while3A_155 = scf.for %while3A_227 = %while3A_146 to %while3A_153 step %while3A_154 iter_args(%while3A_228 = %while3A_147) -> (i32)  : i32 {
        %mul3A_229 = arith.constant 2 : i32
        %mul3A_230 = arith.muli %mul3A_229, %while3A_227 : i32
        %add3A_231 = arith.constant 0 : i32
        %add3A_232 = arith.addi %mul3A_230, %add3A_231 : i32
        %mul3A_233 = arith.constant 16 : i32
        %mul3A_234 = arith.muli %add3A_232, %mul3A_233 : i32
        %get3A = arith.index_cast %mul3A_234 : i32 to index
        %get3A_235 = tpu.vector_load %arg8[%get3A] {strides = array<i32>} : memref<4128xi32, #tpu.memory_space<vmem>>, vector<16xi32>,
        %gather3A = tpu.vector_load_idx %arg5[%get3A_235] : memref<50048xf32, #tpu.memory_space<vmem>>[vector<16xi32>], vector<16xf32>,
        %get3A_236 = arith.index_cast %mul3A_234 : i32 to index
        %get3A_237 = tpu.vector_load %arg9[%get3A_236] {strides = array<i32>} : memref<4128xi32, #tpu.memory_space<vmem>>, vector<16xi32>,
        tpu.vector_store_idx %arg12[%get3A_237], %gather3A : memref<4128xf32, #tpu.memory_space<vmem>>[vector<16xi32>], vector<16xf32>,
        %mul3A_238 = arith.constant 2 : i32
        %mul3A_239 = arith.muli %mul3A_238, %while3A_227 : i32
        %add3A_240 = arith.constant 1 : i32
        %add3A_241 = arith.addi %mul3A_239, %add3A_240 : i32
        %mul3A_242 = arith.constant 16 : i32
        %mul3A_243 = arith.muli %add3A_241, %mul3A_242 : i32
        %get3A_244 = arith.index_cast %mul3A_243 : i32 to index
        %get3A_245 = tpu.vector_load %arg8[%get3A_244] {strides = array<i32>} : memref<4128xi32, #tpu.memory_space<vmem>>, vector<16xi32>,
        %gather3A_246 = tpu.vector_load_idx %arg5[%get3A_245] : memref<50048xf32, #tpu.memory_space<vmem>>[vector<16xi32>], vector<16xf32>,
        %get3A_247 = arith.index_cast %mul3A_243 : i32 to index
        %get3A_248 = tpu.vector_load %arg9[%get3A_247] {strides = array<i32>} : memref<4128xi32, #tpu.memory_space<vmem>>, vector<16xi32>,
        tpu.vector_store_idx %arg12[%get3A_248], %gather3A_246 : memref<4128xf32, #tpu.memory_space<vmem>>[vector<16xi32>], vector<16xf32>,
        %while3A_249 = arith.constant 0 : i32
        scf.yield %while3A_249 : i32
      }
      %while3A_156 = arith.constant 1 : i32
      %while3A_157 = scf.for %while3A_227 = %while3A_153 to %while3A_149 step %while3A_156 iter_args(%while3A_228 = %while3A_155) -> (i32)  : i32 {
        %mul3A_229 = arith.constant 2 : i32
        %mul3A_230 = arith.muli %mul3A_229, %while3A_227 : i32
        %add3A_231 = arith.constant 0 : i32
        %add3A_232 = arith.addi %mul3A_230, %add3A_231 : i32
        %mul3A_233 = arith.constant 16 : i32
        %mul3A_234 = arith.muli %add3A_232, %mul3A_233 : i32
        %get3A = arith.index_cast %mul3A_234 : i32 to index
        %get3A_235 = tpu.vector_load %arg8[%get3A] {strides = array<i32>} : memref<4128xi32, #tpu.memory_space<vmem>>, vector<16xi32>,
        %gather3A = tpu.vector_load_idx %arg5[%get3A_235] : memref<50048xf32, #tpu.memory_space<vmem>>[vector<16xi32>], vector<16xf32>,
        %get3A_236 = arith.index_cast %mul3A_234 : i32 to index
        %get3A_237 = tpu.vector_load %arg9[%get3A_236] {strides = array<i32>} : memref<4128xi32, #tpu.memory_space<vmem>>, vector<16xi32>,
        tpu.vector_store_idx %arg12[%get3A_237], %gather3A : memref<4128xf32, #tpu.memory_space<vmem>>[vector<16xi32>], vector<16xf32>,
        %mul3A_238 = arith.constant 2 : i32
        %mul3A_239 = arith.muli %mul3A_238, %while3A_227 : i32
        %add3A_240 = arith.constant 1 : i32
        %add3A_241 = arith.addi %mul3A_239, %add3A_240 : i32
        %mul3A_242 = arith.constant 16 : i32
        %mul3A_243 = arith.muli %add3A_241, %mul3A_242 : i32
        %get3A_244 = arith.index_cast %mul3A_243 : i32 to index
        %get3A_245 = tpu.vector_load %arg8[%get3A_244] {strides = array<i32>} : memref<4128xi32, #tpu.memory_space<vmem>>, vector<16xi32>,
        %gather3A_246 = tpu.vector_load_idx %arg5[%get3A_245] : memref<50048xf32, #tpu.memory_space<vmem>>[vector<16xi32>], vector<16xf32>,
        %get3A_247 = arith.index_cast %mul3A_243 : i32 to index
        %get3A_248 = tpu.vector_load %arg9[%get3A_247] {strides = array<i32>} : memref<4128xi32, #tpu.memory_space<vmem>>, vector<16xi32>,
        tpu.vector_store_idx %arg12[%get3A_248], %gather3A_246 : memref<4128xf32, #tpu.memory_space<vmem>>[vector<16xi32>], vector<16xf32>,
        %while3A_249 = arith.constant 0 : i32
        scf.yield %while3A_249 : i32
      }
      %add3A_158 = arith.constant 1 : i32
      %add3A_159 = arith.addi %while3A_107, %add3A_158 : i32
      %lt3A_160 = arith.cmpi slt, %add3A_159, %min3A : i32
      %convert_element_type3A_161 = arith.extui %lt3A_160 : i1 to i32
      %cond3A_162 = arith.constant 0 : i32
      %cond3A_163 = arith.cmpi ne, %convert_element_type3A_161, %cond3A_162 : i32
      scf.if %cond3A_163 {
        %add3A_227 = arith.constant 1 : i32
        %add3A_228 = arith.addi %while3A_107, %add3A_227 : i32
        %dma_start3A_229 = arith.constant 0 : i32
        %dma_start3A_230 = tpu.memref_slice %arg3[%add3A_228, %dma_start3A_229] : memref<1664x100000xf32, #tpu.memory_space<hbm>> -> memref<1x50048xf32, #tpu.memory_space<hbm>>
        %dma_start3A_231 = tpu.memref_squeeze %dma_start3A_230 : memref<1x50048xf32, #tpu.memory_space<hbm>> -> memref<50048xf32, #tpu.memory_space<hbm>>
        %dma_start3A_232 = arith.constant 0 : i32
        %dma_start3A_233 = tpu.memref_slice %arg3[%add3A_228, %dma_start3A_232] : memref<1664x100000xf32, #tpu.memory_space<hbm>> -> memref<1x50048xf32, #tpu.memory_space<hbm>>
        %dma_start3A_234 = tpu.memref_squeeze %dma_start3A_233 : memref<1x50048xf32, #tpu.memory_space<hbm>> -> memref<50048xf32, #tpu.memory_space<hbm>>
        tpu.enqueue_dma source(%dma_start3A_234 : memref<50048xf32, #tpu.memory_space<hbm>>) target(%arg5 : memref<50048xf32, #tpu.memory_space<vmem>>) target_semaphore(%arg13 : memref<!tpu.dma_semaphore, #tpu.memory_space<semaphore_mem>>)
      } else {
      }
      %dma_wait3A_164 = arith.constant 50048 : i32
      %dma_wait3A_165 = tpu.memref_slice %arg3[%while3A_107, %dma_wait3A_164] : memref<1664x100000xf32, #tpu.memory_space<hbm>> -> memref<1x49952xf32, #tpu.memory_space<hbm>>
      %dma_wait3A_166 = tpu.memref_squeeze %dma_wait3A_165 : memref<1x49952xf32, #tpu.memory_space<hbm>> -> memref<49952xf32, #tpu.memory_space<hbm>>
      %dma_wait3A_167 = arith.constant 50048 : i32
      %dma_wait3A_168 = tpu.memref_slice %arg3[%while3A_107, %dma_wait3A_167] : memref<1664x100000xf32, #tpu.memory_space<hbm>> -> memref<1x49952xf32, #tpu.memory_space<hbm>>
      %dma_wait3A_169 = tpu.memref_squeeze %dma_wait3A_168 : memref<1x49952xf32, #tpu.memory_space<hbm>> -> memref<49952xf32, #tpu.memory_space<hbm>>
      tpu.wait_dma2 semaphore(%arg14 : memref<!tpu.dma_semaphore, #tpu.memory_space<semaphore_mem>>) src(%dma_wait3A_169 : memref<49952xf32, #tpu.memory_space<hbm>>) dst(%arg6 : memref<49952xf32, #tpu.memory_space<vmem>>)
      %add3A_170 = arith.constant 32 : i32
      %add3A_171 = arith.addi %scan3A_30#1, %add3A_170 : i32
      %sub3A_172 = arith.constant 1 : i32
      %sub3A_173 = arith.subi %add3A_171, %sub3A_172 : i32
      %jit3A_174 = arith.constant 32 : i32
      %div3A_175 = arith.divsi %sub3A_173, %jit3A_174 : i32
      %sign3A_176 = arith.constant 0 : i32
      %sign3A_177 = arith.cmpi sgt, %sub3A_173, %sign3A_176 : i32
      %sign3A_178 = arith.extui %sign3A_177 : i1 to i32
      %sign3A_179 = arith.constant 0 : i32
      %sign3A_180 = arith.cmpi slt, %sub3A_173, %sign3A_179 : i32
      %sign3A_181 = arith.extui %sign3A_180 : i1 to i32
      %sign3A_182 = arith.subi %sign3A_178, %sign3A_181 : i32
      %sign3A_183 = arith.constant 0 : i32
      %sign3A_184 = arith.cmpi sgt, %jit3A_174, %sign3A_183 : i32
      %sign3A_185 = arith.extui %sign3A_184 : i1 to i32
      %sign3A_186 = arith.constant 0 : i32
      %sign3A_187 = arith.cmpi slt, %jit3A_174, %sign3A_186 : i32
      %sign3A_188 = arith.extui %sign3A_187 : i1 to i32
      %sign3A_189 = arith.subi %sign3A_185, %sign3A_188 : i32
      %ne3A_190 = arith.cmpi ne, %sign3A_182, %sign3A_189 : i32
      %rem3A_191 = arith.remsi %sub3A_173, %jit3A_174 : i32
      %ne3A_192 = arith.constant 0 : i32
      %ne3A_193 = arith.cmpi ne, %rem3A_191, %ne3A_192 : i32
      %and3A_194 = arith.andi %ne3A_190, %ne3A_193 : i1
      %sub3A_195 = arith.constant 1 : i32
      %sub3A_196 = arith.subi %div3A_175, %sub3A_195 : i32
      %select_n3A_197 = arith.select %and3A_194, %sub3A_196, %div3A_175 : i32
      %while3A_198 = arith.constant 0 : i32
      %while3A_199 = arith.constant 0 : i32
      %while3A_200 = arith.subi %select_n3A_197, %while3A_198 : i32
      %while3A_201 = arith.addi %while3A_198, %while3A_200 : i32
      %while3A_202 = arith.constant 1 : i32
      %while3A_203 = arith.divsi %while3A_200, %while3A_202 : i32
      %while3A_204 = arith.muli %while3A_203, %while3A_202 : i32
      %while3A_205 = arith.addi %while3A_198, %while3A_204 : i32
      %while3A_206 = arith.constant 1 : i32
      %while3A_207 = scf.for %while3A_227 = %while3A_198 to %while3A_205 step %while3A_206 iter_args(%while3A_228 = %while3A_199) -> (i32)  : i32 {
        %mul3A_229 = arith.constant 2 : i32
        %mul3A_230 = arith.muli %mul3A_229, %while3A_227 : i32
        %add3A_231 = arith.constant 0 : i32
        %add3A_232 = arith.addi %mul3A_230, %add3A_231 : i32
        %mul3A_233 = arith.constant 16 : i32
        %mul3A_234 = arith.muli %add3A_232, %mul3A_233 : i32
        %get3A = arith.index_cast %mul3A_234 : i32 to index
        %get3A_235 = tpu.vector_load %arg10[%get3A] {strides = array<i32>} : memref<4128xi32, #tpu.memory_space<vmem>>, vector<16xi32>,
        %gather3A = tpu.vector_load_idx %arg6[%get3A_235] : memref<49952xf32, #tpu.memory_space<vmem>>[vector<16xi32>], vector<16xf32>,
        %get3A_236 = arith.index_cast %mul3A_234 : i32 to index
        %get3A_237 = tpu.vector_load %arg11[%get3A_236] {strides = array<i32>} : memref<4128xi32, #tpu.memory_space<vmem>>, vector<16xi32>,
        tpu.vector_store_idx %arg12[%get3A_237], %gather3A : memref<4128xf32, #tpu.memory_space<vmem>>[vector<16xi32>], vector<16xf32>,
        %mul3A_238 = arith.constant 2 : i32
        %mul3A_239 = arith.muli %mul3A_238, %while3A_227 : i32
        %add3A_240 = arith.constant 1 : i32
        %add3A_241 = arith.addi %mul3A_239, %add3A_240 : i32
        %mul3A_242 = arith.constant 16 : i32
        %mul3A_243 = arith.muli %add3A_241, %mul3A_242 : i32
        %get3A_244 = arith.index_cast %mul3A_243 : i32 to index
        %get3A_245 = tpu.vector_load %arg10[%get3A_244] {strides = array<i32>} : memref<4128xi32, #tpu.memory_space<vmem>>, vector<16xi32>,
        %gather3A_246 = tpu.vector_load_idx %arg6[%get3A_245] : memref<49952xf32, #tpu.memory_space<vmem>>[vector<16xi32>], vector<16xf32>,
        %get3A_247 = arith.index_cast %mul3A_243 : i32 to index
        %get3A_248 = tpu.vector_load %arg11[%get3A_247] {strides = array<i32>} : memref<4128xi32, #tpu.memory_space<vmem>>, vector<16xi32>,
        tpu.vector_store_idx %arg12[%get3A_248], %gather3A_246 : memref<4128xf32, #tpu.memory_space<vmem>>[vector<16xi32>], vector<16xf32>,
        %while3A_249 = arith.constant 0 : i32
        scf.yield %while3A_249 : i32
      }
      %while3A_208 = arith.constant 1 : i32
      %while3A_209 = scf.for %while3A_227 = %while3A_205 to %while3A_201 step %while3A_208 iter_args(%while3A_228 = %while3A_207) -> (i32)  : i32 {
        %mul3A_229 = arith.constant 2 : i32
        %mul3A_230 = arith.muli %mul3A_229, %while3A_227 : i32
        %add3A_231 = arith.constant 0 : i32
        %add3A_232 = arith.addi %mul3A_230, %add3A_231 : i32
        %mul3A_233 = arith.constant 16 : i32
        %mul3A_234 = arith.muli %add3A_232, %mul3A_233 : i32
        %get3A = arith.index_cast %mul3A_234 : i32 to index
        %get3A_235 = tpu.vector_load %arg10[%get3A] {strides = array<i32>} : memref<4128xi32, #tpu.memory_space<vmem>>, vector<16xi32>,
        %gather3A = tpu.vector_load_idx %arg6[%get3A_235] : memref<49952xf32, #tpu.memory_space<vmem>>[vector<16xi32>], vector<16xf32>,
        %get3A_236 = arith.index_cast %mul3A_234 : i32 to index
        %get3A_237 = tpu.vector_load %arg11[%get3A_236] {strides = array<i32>} : memref<4128xi32, #tpu.memory_space<vmem>>, vector<16xi32>,
        tpu.vector_store_idx %arg12[%get3A_237], %gather3A : memref<4128xf32, #tpu.memory_space<vmem>>[vector<16xi32>], vector<16xf32>,
        %mul3A_238 = arith.constant 2 : i32
        %mul3A_239 = arith.muli %mul3A_238, %while3A_227 : i32
        %add3A_240 = arith.constant 1 : i32
        %add3A_241 = arith.addi %mul3A_239, %add3A_240 : i32
        %mul3A_242 = arith.constant 16 : i32
        %mul3A_243 = arith.muli %add3A_241, %mul3A_242 : i32
        %get3A_244 = arith.index_cast %mul3A_243 : i32 to index
        %get3A_245 = tpu.vector_load %arg10[%get3A_244] {strides = array<i32>} : memref<4128xi32, #tpu.memory_space<vmem>>, vector<16xi32>,
        %gather3A_246 = tpu.vector_load_idx %arg6[%get3A_245] : memref<49952xf32, #tpu.memory_space<vmem>>[vector<16xi32>], vector<16xf32>,
        %get3A_247 = arith.index_cast %mul3A_243 : i32 to index
        %get3A_248 = tpu.vector_load %arg11[%get3A_247] {strides = array<i32>} : memref<4128xi32, #tpu.memory_space<vmem>>, vector<16xi32>,
        tpu.vector_store_idx %arg12[%get3A_248], %gather3A_246 : memref<4128xf32, #tpu.memory_space<vmem>>[vector<16xi32>], vector<16xf32>,
        %while3A_249 = arith.constant 0 : i32
        scf.yield %while3A_249 : i32
      }
      %add3A_210 = arith.constant 1 : i32
      %add3A_211 = arith.addi %while3A_107, %add3A_210 : i32
      %lt3A_212 = arith.cmpi slt, %add3A_211, %min3A : i32
      %convert_element_type3A_213 = arith.extui %lt3A_212 : i1 to i32
      %cond3A_214 = arith.constant 0 : i32
      %cond3A_215 = arith.cmpi ne, %convert_element_type3A_213, %cond3A_214 : i32
      scf.if %cond3A_215 {
        %add3A_227 = arith.constant 1 : i32
        %add3A_228 = arith.addi %while3A_107, %add3A_227 : i32
        %dma_start3A_229 = arith.constant 50048 : i32
        %dma_start3A_230 = tpu.memref_slice %arg3[%add3A_228, %dma_start3A_229] : memref<1664x100000xf32, #tpu.memory_space<hbm>> -> memref<1x49952xf32, #tpu.memory_space<hbm>>
        %dma_start3A_231 = tpu.memref_squeeze %dma_start3A_230 : memref<1x49952xf32, #tpu.memory_space<hbm>> -> memref<49952xf32, #tpu.memory_space<hbm>>
        %dma_start3A_232 = arith.constant 50048 : i32
        %dma_start3A_233 = tpu.memref_slice %arg3[%add3A_228, %dma_start3A_232] : memref<1664x100000xf32, #tpu.memory_space<hbm>> -> memref<1x49952xf32, #tpu.memory_space<hbm>>
        %dma_start3A_234 = tpu.memref_squeeze %dma_start3A_233 : memref<1x49952xf32, #tpu.memory_space<hbm>> -> memref<49952xf32, #tpu.memory_space<hbm>>
        tpu.enqueue_dma source(%dma_start3A_234 : memref<49952xf32, #tpu.memory_space<hbm>>) target(%arg6 : memref<49952xf32, #tpu.memory_space<vmem>>) target_semaphore(%arg14 : memref<!tpu.dma_semaphore, #tpu.memory_space<semaphore_mem>>)
      } else {
      }
      %dma_start3A_216 = arith.constant 0 : i32
      %dma_start3A_217 = tpu.memref_slice %arg12[%dma_start3A_216] : memref<4128xf32, #tpu.memory_space<vmem>> -> memref<4096xf32, #tpu.memory_space<vmem>>
      %dma_start3A_218 = arith.constant 0 : i32
      %dma_start3A_219 = tpu.memref_slice %arg4[%while3A_107, %dma_start3A_218] : memref<1664x4096xf32, #tpu.memory_space<hbm>> -> memref<1x4096xf32, #tpu.memory_space<hbm>>
      %dma_start3A_220 = tpu.memref_squeeze %dma_start3A_219 : memref<1x4096xf32, #tpu.memory_space<hbm>> -> memref<4096xf32, #tpu.memory_space<hbm>>
      %dma_start3A_221 = arith.constant 0 : i32
      %dma_start3A_222 = tpu.memref_slice %arg4[%while3A_107, %dma_start3A_221] : memref<1664x4096xf32, #tpu.memory_space<hbm>> -> memref<1x4096xf32, #tpu.memory_space<hbm>>
      %dma_start3A_223 = tpu.memref_squeeze %dma_start3A_222 : memref<1x4096xf32, #tpu.memory_space<hbm>> -> memref<4096xf32, #tpu.memory_space<hbm>>
      %dma_start3A_224 = arith.constant 0 : i32
      %dma_start3A_225 = tpu.memref_slice %arg12[%dma_start3A_224] : memref<4128xf32, #tpu.memory_space<vmem>> -> memref<4096xf32, #tpu.memory_space<vmem>>
      tpu.enqueue_dma source(%dma_start3A_225 : memref<4096xf32, #tpu.memory_space<vmem>>) target(%dma_start3A_223 : memref<4096xf32, #tpu.memory_space<hbm>>) target_semaphore(%arg15 : memref<!tpu.dma_semaphore, #tpu.memory_space<semaphore_mem>>)
      %while3A_226 = arith.constant 0 : i32
      scf.yield %while3A_226 : i32
    }
    %add3A_91 = arith.constant 52 : i32
    %add3A_92 = arith.addi %mul3A_2, %add3A_91 : i32
    %lt3A = arith.cmpi slt, %min3A, %add3A_92 : i32
    %convert_element_type3A = arith.extui %lt3A : i1 to i32
    %cond3A = arith.constant 0 : i32
    %cond3A_93 = arith.cmpi ne, %convert_element_type3A, %cond3A : i32
    scf.if %cond3A_93 {
      %add3A_107 = arith.constant 1 : i32
      %add3A_108 = arith.addi %select_n3A, %add3A_107 : i32
      %add3A_109 = arith.constant 52 : i32
      %add3A_110 = arith.addi %mul3A_2, %add3A_109 : i32
      "tpu.region"() ({
        %run_scoped3A = tpu.sem_alloc : memref<!tpu.dma_semaphore, #tpu.memory_space<semaphore_mem>>
        %dma_start3A_182 = arith.constant 0 : i32
        %dma_start3A_183 = tpu.memref_slice %arg2[%add3A_108, %dma_start3A_182] : memref<26x4096xi32, #tpu.memory_space<hbm>> -> memref<1x4096xi32, #tpu.memory_space<hbm>>
        %dma_start3A_184 = tpu.memref_squeeze %dma_start3A_183 : memref<1x4096xi32, #tpu.memory_space<hbm>> -> memref<4096xi32, #tpu.memory_space<hbm>>
        %dma_start3A_185 = arith.constant 0 : i32
        %dma_start3A_186 = tpu.memref_slice %arg2[%add3A_108, %dma_start3A_185] : memref<26x4096xi32, #tpu.memory_space<hbm>> -> memref<1x4096xi32, #tpu.memory_space<hbm>>
        %dma_start3A_187 = tpu.memref_squeeze %dma_start3A_186 : memref<1x4096xi32, #tpu.memory_space<hbm>> -> memref<4096xi32, #tpu.memory_space<hbm>>
        tpu.enqueue_dma source(%dma_start3A_187 : memref<4096xi32, #tpu.memory_space<hbm>>) target(%arg7 : memref<4096xi32, #tpu.memory_space<vmem>>) target_semaphore(%run_scoped3A : memref<!tpu.dma_semaphore, #tpu.memory_space<semaphore_mem>>)
        %dma_wait3A_188 = arith.constant 0 : i32
        %dma_wait3A_189 = tpu.memref_slice %arg2[%add3A_108, %dma_wait3A_188] : memref<26x4096xi32, #tpu.memory_space<hbm>> -> memref<1x4096xi32, #tpu.memory_space<hbm>>
        %dma_wait3A_190 = tpu.memref_squeeze %dma_wait3A_189 : memref<1x4096xi32, #tpu.memory_space<hbm>> -> memref<4096xi32, #tpu.memory_space<hbm>>
        %dma_wait3A_191 = arith.constant 0 : i32
        %dma_wait3A_192 = tpu.memref_slice %arg2[%add3A_108, %dma_wait3A_191] : memref<26x4096xi32, #tpu.memory_space<hbm>> -> memref<1x4096xi32, #tpu.memory_space<hbm>>
        %dma_wait3A_193 = tpu.memref_squeeze %dma_wait3A_192 : memref<1x4096xi32, #tpu.memory_space<hbm>> -> memref<4096xi32, #tpu.memory_space<hbm>>
        tpu.wait_dma2 semaphore(%run_scoped3A : memref<!tpu.dma_semaphore, #tpu.memory_space<semaphore_mem>>) src(%dma_wait3A_193 : memref<4096xi32, #tpu.memory_space<hbm>>) dst(%arg7 : memref<4096xi32, #tpu.memory_space<vmem>>)
        tpu.yield
      }) : () -> ()
      %scan3A_111 = arith.constant 0 : i32
      %scan3A_112 = arith.constant 0 : i32
      %scan3A_113 = arith.constant 0 : i32
      %scan3A_114 = arith.constant 256 : i32
      %scan3A_115 = arith.addi %scan3A_113, %scan3A_114 : i32
      %scan3A_116 = arith.constant 1 : i32
      %scan3A_117:2 = scf.for %scan3A_182 = %scan3A_113 to %scan3A_115 step %scan3A_116 iter_args(%scan3A_183 = %scan3A_111, %scan3A_184 = %scan3A_112) -> (i32, i32)  : i32 {
        %mul3A_185 = arith.constant 16 : i32
        %mul3A_186 = arith.muli %scan3A_182, %mul3A_185 : i32
        %get3A = arith.index_cast %mul3A_186 : i32 to index
        %get3A_187 = tpu.vector_load %arg7[%get3A] {strides = array<i32>} : memref<4096xi32, #tpu.memory_space<vmem>>, vector<16xi32>,
        %mul3A_188 = arith.constant 16 : i32
        %mul3A_189 = arith.muli %scan3A_182, %mul3A_188 : i32
        %add3A_190 = vector.broadcast %mul3A_189 : i32 to vector<16xi32>
        %add3A_191 = arith.addi %add3A_190, %iota3A : vector<16xi32>
        %lt3A_192 = arith.constant 50048 : i32
        %lt3A_193 = vector.broadcast %lt3A_192 : i32 to vector<16xi32>
        %lt3A_194 = arith.cmpi slt, %get3A_187, %lt3A_193 : vector<16xi32>
        %not3A = arith.constant dense<true> : vector<16xi1>
        %not3A_195 = arith.xori %lt3A_194, %not3A : vector<16xi1>
        %swap3A_196 = arith.index_cast %scan3A_183 : i32 to index
        %swap3A_197 = tpu.vector_load %arg8[%swap3A_196] masked %lt3A_194 {strides = array<i32>} : memref<4128xi32, #tpu.memory_space<vmem>>, vector<16xi32>, vector<16xi1>
        tpu.vector_store %arg8[%swap3A_196], %get3A_187 masked %lt3A_194 {strides = array<i32>} : memref<4128xi32, #tpu.memory_space<vmem>>, vector<16xi32>, vector<16xi1>
        %swap3A_198 = arith.index_cast %scan3A_183 : i32 to index
        %swap3A_199 = tpu.vector_load %arg9[%swap3A_198] masked %lt3A_194 {strides = array<i32>} : memref<4128xi32, #tpu.memory_space<vmem>>, vector<16xi32>, vector<16xi1>
        tpu.vector_store %arg9[%swap3A_198], %add3A_191 masked %lt3A_194 {strides = array<i32>} : memref<4128xi32, #tpu.memory_space<vmem>>, vector<16xi32>, vector<16xi1>
        %sub3A_200 = arith.constant 50048 : i32
        %sub3A_201 = vector.broadcast %sub3A_200 : i32 to vector<16xi32>
        %sub3A_202 = arith.subi %get3A_187, %sub3A_201 : vector<16xi32>
        %swap3A_203 = arith.index_cast %scan3A_184 : i32 to index
        %swap3A_204 = tpu.vector_load %arg10[%swap3A_203] masked %not3A_195 {strides = array<i32>} : memref<4128xi32, #tpu.memory_space<vmem>>, vector<16xi32>, vector<16xi1>
        tpu.vector_store %arg10[%swap3A_203], %sub3A_202 masked %not3A_195 {strides = array<i32>} : memref<4128xi32, #tpu.memory_space<vmem>>, vector<16xi32>, vector<16xi1>
        %swap3A_205 = arith.index_cast %scan3A_184 : i32 to index
        %swap3A_206 = tpu.vector_load %arg11[%swap3A_205] masked %not3A_195 {strides = array<i32>} : memref<4128xi32, #tpu.memory_space<vmem>>, vector<16xi32>, vector<16xi1>
        tpu.vector_store %arg11[%swap3A_205], %add3A_191 masked %not3A_195 {strides = array<i32>} : memref<4128xi32, #tpu.memory_space<vmem>>, vector<16xi32>, vector<16xi1>
        %jit3A_207 = arith.constant 1 : i32
        %jit3A_208 = arith.constant 0 : i32
        %broadcast_in_dim3A_209 = vector.broadcast %jit3A_207 : i32 to vector<16xi32>
        %broadcast_in_dim3A_210 = vector.broadcast %jit3A_208 : i32 to vector<16xi32>
        %select_n3A_211 = arith.select %lt3A_194, %broadcast_in_dim3A_209, %broadcast_in_dim3A_210 : vector<16xi1>, vector<16xi32>
        %reduce_sum3A = arith.constant true
        %reduce_sum3A_212 = vector.broadcast %reduce_sum3A : i1 to vector<16xi1>
        %reduce_sum3A_213 = tpu.scan <sum>, %select_n3A_211 masked %reduce_sum3A_212 : vector<16xi32>, vector<16xi1> -> vector<16xi32>
        %reduce_sum3A_214 = vector.extract %reduce_sum3A_213[15] : i32 from vector<16xi32>
        %add3A_215 = arith.addi %scan3A_183, %reduce_sum3A_214 : i32
        %sub3A_216 = arith.constant 16 : i32
        %sub3A_217 = arith.subi %sub3A_216, %reduce_sum3A_214 : i32
        %add3A_218 = arith.addi %scan3A_184, %sub3A_217 : i32
        scf.yield %add3A_215, %add3A_218 : i32, i32
      }
      %scan3A_118 = arith.constant 256 : i32
      %broadcast_in_dim3A_119 = arith.constant 0 : i32
      %broadcast_in_dim3A_120 = vector.broadcast %broadcast_in_dim3A_119 : i32 to vector<16xi32>
      %add3A_121 = arith.constant 4096 : i32
      %add3A_122 = vector.broadcast %add3A_121 : i32 to vector<16xi32>
      %add3A_123 = arith.addi %add3A_122, %iota3A : vector<16xi32>
      %add3A_124 = arith.constant 0 : i32
      %add3A_125 = arith.addi %scan3A_117#0, %add3A_124 : i32
      %swap3A_126 = arith.index_cast %add3A_125 : i32 to index
      %swap3A_127 = tpu.vector_load %arg8[%swap3A_126] {strides = array<i32>} : memref<4128xi32, #tpu.memory_space<vmem>>, vector<16xi32>,
      tpu.vector_store %arg8[%swap3A_126], %broadcast_in_dim3A_120 {strides = array<i32>} : memref<4128xi32, #tpu.memory_space<vmem>>, vector<16xi32>,
      %add3A_128 = arith.constant 0 : i32
      %add3A_129 = arith.addi %scan3A_117#0, %add3A_128 : i32
      %swap3A_130 = arith.index_cast %add3A_129 : i32 to index
      %swap3A_131 = tpu.vector_load %arg9[%swap3A_130] {strides = array<i32>} : memref<4128xi32, #tpu.memory_space<vmem>>, vector<16xi32>,
      tpu.vector_store %arg9[%swap3A_130], %add3A_123 {strides = array<i32>} : memref<4128xi32, #tpu.memory_space<vmem>>, vector<16xi32>,
      %add3A_132 = arith.constant 0 : i32
      %add3A_133 = arith.addi %scan3A_117#1, %add3A_132 : i32
      %swap3A_134 = arith.index_cast %add3A_133 : i32 to index
      %swap3A_135 = tpu.vector_load %arg10[%swap3A_134] {strides = array<i32>} : memref<4128xi32, #tpu.memory_space<vmem>>, vector<16xi32>,
      tpu.vector_store %arg10[%swap3A_134], %broadcast_in_dim3A_120 {strides = array<i32>} : memref<4128xi32, #tpu.memory_space<vmem>>, vector<16xi32>,
      %add3A_136 = arith.constant 0 : i32
      %add3A_137 = arith.addi %scan3A_117#1, %add3A_136 : i32
      %swap3A_138 = arith.index_cast %add3A_137 : i32 to index
      %swap3A_139 = tpu.vector_load %arg11[%swap3A_138] {strides = array<i32>} : memref<4128xi32, #tpu.memory_space<vmem>>, vector<16xi32>,
      tpu.vector_store %arg11[%swap3A_138], %add3A_123 {strides = array<i32>} : memref<4128xi32, #tpu.memory_space<vmem>>, vector<16xi32>,
      %add3A_140 = arith.constant 4112 : i32
      %add3A_141 = vector.broadcast %add3A_140 : i32 to vector<16xi32>
      %add3A_142 = arith.addi %add3A_141, %iota3A : vector<16xi32>
      %add3A_143 = arith.constant 16 : i32
      %add3A_144 = arith.addi %scan3A_117#0, %add3A_143 : i32
      %swap3A_145 = arith.index_cast %add3A_144 : i32 to index
      %swap3A_146 = tpu.vector_load %arg8[%swap3A_145] {strides = array<i32>} : memref<4128xi32, #tpu.memory_space<vmem>>, vector<16xi32>,
      tpu.vector_store %arg8[%swap3A_145], %broadcast_in_dim3A_120 {strides = array<i32>} : memref<4128xi32, #tpu.memory_space<vmem>>, vector<16xi32>,
      %add3A_147 = arith.constant 16 : i32
      %add3A_148 = arith.addi %scan3A_117#0, %add3A_147 : i32
      %swap3A_149 = arith.index_cast %add3A_148 : i32 to index
      %swap3A_150 = tpu.vector_load %arg9[%swap3A_149] {strides = array<i32>} : memref<4128xi32, #tpu.memory_space<vmem>>, vector<16xi32>,
      tpu.vector_store %arg9[%swap3A_149], %add3A_142 {strides = array<i32>} : memref<4128xi32, #tpu.memory_space<vmem>>, vector<16xi32>,
      %add3A_151 = arith.constant 16 : i32
      %add3A_152 = arith.addi %scan3A_117#1, %add3A_151 : i32
      %swap3A_153 = arith.index_cast %add3A_152 : i32 to index
      %swap3A_154 = tpu.vector_load %arg10[%swap3A_153] {strides = array<i32>} : memref<4128xi32, #tpu.memory_space<vmem>>, vector<16xi32>,
      tpu.vector_store %arg10[%swap3A_153], %broadcast_in_dim3A_120 {strides = array<i32>} : memref<4128xi32, #tpu.memory_space<vmem>>, vector<16xi32>,
      %add3A_155 = arith.constant 16 : i32
      %add3A_156 = arith.addi %scan3A_117#1, %add3A_155 : i32
      %swap3A_157 = arith.index_cast %add3A_156 : i32 to index
      %swap3A_158 = tpu.vector_load %arg11[%swap3A_157] {strides = array<i32>} : memref<4128xi32, #tpu.memory_space<vmem>>, vector<16xi32>,
      tpu.vector_store %arg11[%swap3A_157], %add3A_142 {strides = array<i32>} : memref<4128xi32, #tpu.memory_space<vmem>>, vector<16xi32>,
      %dma_start3A_159 = arith.constant 0 : i32
      %dma_start3A_160 = tpu.memref_slice %arg3[%min3A, %dma_start3A_159] : memref<1664x100000xf32, #tpu.memory_space<hbm>> -> memref<1x50048xf32, #tpu.memory_space<hbm>>
      %dma_start3A_161 = tpu.memref_squeeze %dma_start3A_160 : memref<1x50048xf32, #tpu.memory_space<hbm>> -> memref<50048xf32, #tpu.memory_space<hbm>>
      %dma_start3A_162 = arith.constant 0 : i32
      %dma_start3A_163 = tpu.memref_slice %arg3[%min3A, %dma_start3A_162] : memref<1664x100000xf32, #tpu.memory_space<hbm>> -> memref<1x50048xf32, #tpu.memory_space<hbm>>
      %dma_start3A_164 = tpu.memref_squeeze %dma_start3A_163 : memref<1x50048xf32, #tpu.memory_space<hbm>> -> memref<50048xf32, #tpu.memory_space<hbm>>
      tpu.enqueue_dma source(%dma_start3A_164 : memref<50048xf32, #tpu.memory_space<hbm>>) target(%arg5 : memref<50048xf32, #tpu.memory_space<vmem>>) target_semaphore(%arg13 : memref<!tpu.dma_semaphore, #tpu.memory_space<semaphore_mem>>)
      %dma_start3A_165 = arith.constant 50048 : i32
      %dma_start3A_166 = tpu.memref_slice %arg3[%min3A, %dma_start3A_165] : memref<1664x100000xf32, #tpu.memory_space<hbm>> -> memref<1x49952xf32, #tpu.memory_space<hbm>>
      %dma_start3A_167 = tpu.memref_squeeze %dma_start3A_166 : memref<1x49952xf32, #tpu.memory_space<hbm>> -> memref<49952xf32, #tpu.memory_space<hbm>>
      %dma_start3A_168 = arith.constant 50048 : i32
      %dma_start3A_169 = tpu.memref_slice %arg3[%min3A, %dma_start3A_168] : memref<1664x100000xf32, #tpu.memory_space<hbm>> -> memref<1x49952xf32, #tpu.memory_space<hbm>>
      %dma_start3A_170 = tpu.memref_squeeze %dma_start3A_169 : memref<1x49952xf32, #tpu.memory_space<hbm>> -> memref<49952xf32, #tpu.memory_space<hbm>>
      tpu.enqueue_dma source(%dma_start3A_170 : memref<49952xf32, #tpu.memory_space<hbm>>) target(%arg6 : memref<49952xf32, #tpu.memory_space<vmem>>) target_semaphore(%arg14 : memref<!tpu.dma_semaphore, #tpu.memory_space<semaphore_mem>>)
      %while3A_171 = arith.constant 0 : i32
      %while3A_172 = arith.subi %add3A_110, %min3A : i32
      %while3A_173 = arith.addi %min3A, %while3A_172 : i32
      %while3A_174 = arith.constant 1 : i32
      %while3A_175 = arith.divsi %while3A_172, %while3A_174 : i32
      %while3A_176 = arith.muli %while3A_175, %while3A_174 : i32
      %while3A_177 = arith.addi %min3A, %while3A_176 : i32
      %while3A_178 = arith.constant 1 : i32
      %while3A_179 = scf.for %while3A_182 = %min3A to %while3A_177 step %while3A_178 iter_args(%while3A_183 = %while3A_171) -> (i32)  : i32 {
        %dma_wait3A_184 = arith.constant 0 : i32
        %dma_wait3A_185 = tpu.memref_slice %arg3[%while3A_182, %dma_wait3A_184] : memref<1664x100000xf32, #tpu.memory_space<hbm>> -> memref<1x50048xf32, #tpu.memory_space<hbm>>
        %dma_wait3A_186 = tpu.memref_squeeze %dma_wait3A_185 : memref<1x50048xf32, #tpu.memory_space<hbm>> -> memref<50048xf32, #tpu.memory_space<hbm>>
        %dma_wait3A_187 = arith.constant 0 : i32
        %dma_wait3A_188 = tpu.memref_slice %arg3[%while3A_182, %dma_wait3A_187] : memref<1664x100000xf32, #tpu.memory_space<hbm>> -> memref<1x50048xf32, #tpu.memory_space<hbm>>
        %dma_wait3A_189 = tpu.memref_squeeze %dma_wait3A_188 : memref<1x50048xf32, #tpu.memory_space<hbm>> -> memref<50048xf32, #tpu.memory_space<hbm>>
        tpu.wait_dma2 semaphore(%arg13 : memref<!tpu.dma_semaphore, #tpu.memory_space<semaphore_mem>>) src(%dma_wait3A_189 : memref<50048xf32, #tpu.memory_space<hbm>>) dst(%arg5 : memref<50048xf32, #tpu.memory_space<vmem>>)
        %gt3A = arith.cmpi sgt, %while3A_182, %mul3A_2 : i32
        %convert_element_type3A_190 = arith.extui %gt3A : i1 to i32
        %cond3A_191 = arith.constant 0 : i32
        %cond3A_192 = arith.cmpi ne, %convert_element_type3A_190, %cond3A_191 : i32
        scf.if %cond3A_192 {
          %sub3A_302 = arith.constant 1 : i32
          %sub3A_303 = arith.subi %while3A_182, %sub3A_302 : i32
          %dma_wait3A_304 = arith.constant 0 : i32
          %dma_wait3A_305 = tpu.memref_slice %arg12[%dma_wait3A_304] : memref<4128xf32, #tpu.memory_space<vmem>> -> memref<4096xf32, #tpu.memory_space<vmem>>
          %dma_wait3A_306 = arith.constant 0 : i32
          %dma_wait3A_307 = tpu.memref_slice %arg4[%sub3A_303, %dma_wait3A_306] : memref<1664x4096xf32, #tpu.memory_space<hbm>> -> memref<1x4096xf32, #tpu.memory_space<hbm>>
          %dma_wait3A_308 = tpu.memref_squeeze %dma_wait3A_307 : memref<1x4096xf32, #tpu.memory_space<hbm>> -> memref<4096xf32, #tpu.memory_space<hbm>>
          %dma_wait3A_309 = arith.constant 0 : i32
          %dma_wait3A_310 = tpu.memref_slice %arg4[%sub3A_303, %dma_wait3A_309] : memref<1664x4096xf32, #tpu.memory_space<hbm>> -> memref<1x4096xf32, #tpu.memory_space<hbm>>
          %dma_wait3A_311 = tpu.memref_squeeze %dma_wait3A_310 : memref<1x4096xf32, #tpu.memory_space<hbm>> -> memref<4096xf32, #tpu.memory_space<hbm>>
          %dma_wait3A_312 = arith.constant 0 : i32
          %dma_wait3A_313 = tpu.memref_slice %arg12[%dma_wait3A_312] : memref<4128xf32, #tpu.memory_space<vmem>> -> memref<4096xf32, #tpu.memory_space<vmem>>
          tpu.wait_dma2 semaphore(%arg15 : memref<!tpu.dma_semaphore, #tpu.memory_space<semaphore_mem>>) src(%dma_wait3A_313 : memref<4096xf32, #tpu.memory_space<vmem>>) dst(%dma_wait3A_311 : memref<4096xf32, #tpu.memory_space<hbm>>)
        } else {
        }
        %add3A_193 = arith.constant 32 : i32
        %add3A_194 = arith.addi %scan3A_117#0, %add3A_193 : i32
        %sub3A_195 = arith.constant 1 : i32
        %sub3A_196 = arith.subi %add3A_194, %sub3A_195 : i32
        %jit3A_197 = arith.constant 32 : i32
        %div3A_198 = arith.divsi %sub3A_196, %jit3A_197 : i32
        %sign3A_199 = arith.constant 0 : i32
        %sign3A_200 = arith.cmpi sgt, %sub3A_196, %sign3A_199 : i32
        %sign3A_201 = arith.extui %sign3A_200 : i1 to i32
        %sign3A_202 = arith.constant 0 : i32
        %sign3A_203 = arith.cmpi slt, %sub3A_196, %sign3A_202 : i32
        %sign3A_204 = arith.extui %sign3A_203 : i1 to i32
        %sign3A_205 = arith.subi %sign3A_201, %sign3A_204 : i32
        %sign3A_206 = arith.constant 0 : i32
        %sign3A_207 = arith.cmpi sgt, %jit3A_197, %sign3A_206 : i32
        %sign3A_208 = arith.extui %sign3A_207 : i1 to i32
        %sign3A_209 = arith.constant 0 : i32
        %sign3A_210 = arith.cmpi slt, %jit3A_197, %sign3A_209 : i32
        %sign3A_211 = arith.extui %sign3A_210 : i1 to i32
        %sign3A_212 = arith.subi %sign3A_208, %sign3A_211 : i32
        %ne3A_213 = arith.cmpi ne, %sign3A_205, %sign3A_212 : i32
        %rem3A_214 = arith.remsi %sub3A_196, %jit3A_197 : i32
        %ne3A_215 = arith.constant 0 : i32
        %ne3A_216 = arith.cmpi ne, %rem3A_214, %ne3A_215 : i32
        %and3A_217 = arith.andi %ne3A_213, %ne3A_216 : i1
        %sub3A_218 = arith.constant 1 : i32
        %sub3A_219 = arith.subi %div3A_198, %sub3A_218 : i32
        %select_n3A_220 = arith.select %and3A_217, %sub3A_219, %div3A_198 : i32
        %while3A_221 = arith.constant 0 : i32
        %while3A_222 = arith.constant 0 : i32
        %while3A_223 = arith.subi %select_n3A_220, %while3A_221 : i32
        %while3A_224 = arith.addi %while3A_221, %while3A_223 : i32
        %while3A_225 = arith.constant 1 : i32
        %while3A_226 = arith.divsi %while3A_223, %while3A_225 : i32
        %while3A_227 = arith.muli %while3A_226, %while3A_225 : i32
        %while3A_228 = arith.addi %while3A_221, %while3A_227 : i32
        %while3A_229 = arith.constant 1 : i32
        %while3A_230 = scf.for %while3A_302 = %while3A_221 to %while3A_228 step %while3A_229 iter_args(%while3A_303 = %while3A_222) -> (i32)  : i32 {
          %mul3A_304 = arith.constant 2 : i32
          %mul3A_305 = arith.muli %mul3A_304, %while3A_302 : i32
          %add3A_306 = arith.constant 0 : i32
          %add3A_307 = arith.addi %mul3A_305, %add3A_306 : i32
          %mul3A_308 = arith.constant 16 : i32
          %mul3A_309 = arith.muli %add3A_307, %mul3A_308 : i32
          %get3A = arith.index_cast %mul3A_309 : i32 to index
          %get3A_310 = tpu.vector_load %arg8[%get3A] {strides = array<i32>} : memref<4128xi32, #tpu.memory_space<vmem>>, vector<16xi32>,
          %gather3A = tpu.vector_load_idx %arg5[%get3A_310] : memref<50048xf32, #tpu.memory_space<vmem>>[vector<16xi32>], vector<16xf32>,
          %get3A_311 = arith.index_cast %mul3A_309 : i32 to index
          %get3A_312 = tpu.vector_load %arg9[%get3A_311] {strides = array<i32>} : memref<4128xi32, #tpu.memory_space<vmem>>, vector<16xi32>,
          tpu.vector_store_idx %arg12[%get3A_312], %gather3A : memref<4128xf32, #tpu.memory_space<vmem>>[vector<16xi32>], vector<16xf32>,
          %mul3A_313 = arith.constant 2 : i32
          %mul3A_314 = arith.muli %mul3A_313, %while3A_302 : i32
          %add3A_315 = arith.constant 1 : i32
          %add3A_316 = arith.addi %mul3A_314, %add3A_315 : i32
          %mul3A_317 = arith.constant 16 : i32
          %mul3A_318 = arith.muli %add3A_316, %mul3A_317 : i32
          %get3A_319 = arith.index_cast %mul3A_318 : i32 to index
          %get3A_320 = tpu.vector_load %arg8[%get3A_319] {strides = array<i32>} : memref<4128xi32, #tpu.memory_space<vmem>>, vector<16xi32>,
          %gather3A_321 = tpu.vector_load_idx %arg5[%get3A_320] : memref<50048xf32, #tpu.memory_space<vmem>>[vector<16xi32>], vector<16xf32>,
          %get3A_322 = arith.index_cast %mul3A_318 : i32 to index
          %get3A_323 = tpu.vector_load %arg9[%get3A_322] {strides = array<i32>} : memref<4128xi32, #tpu.memory_space<vmem>>, vector<16xi32>,
          tpu.vector_store_idx %arg12[%get3A_323], %gather3A_321 : memref<4128xf32, #tpu.memory_space<vmem>>[vector<16xi32>], vector<16xf32>,
          %while3A_324 = arith.constant 0 : i32
          scf.yield %while3A_324 : i32
        }
        %while3A_231 = arith.constant 1 : i32
        %while3A_232 = scf.for %while3A_302 = %while3A_228 to %while3A_224 step %while3A_231 iter_args(%while3A_303 = %while3A_230) -> (i32)  : i32 {
          %mul3A_304 = arith.constant 2 : i32
          %mul3A_305 = arith.muli %mul3A_304, %while3A_302 : i32
          %add3A_306 = arith.constant 0 : i32
          %add3A_307 = arith.addi %mul3A_305, %add3A_306 : i32
          %mul3A_308 = arith.constant 16 : i32
          %mul3A_309 = arith.muli %add3A_307, %mul3A_308 : i32
          %get3A = arith.index_cast %mul3A_309 : i32 to index
          %get3A_310 = tpu.vector_load %arg8[%get3A] {strides = array<i32>} : memref<4128xi32, #tpu.memory_space<vmem>>, vector<16xi32>,
          %gather3A = tpu.vector_load_idx %arg5[%get3A_310] : memref<50048xf32, #tpu.memory_space<vmem>>[vector<16xi32>], vector<16xf32>,
          %get3A_311 = arith.index_cast %mul3A_309 : i32 to index
          %get3A_312 = tpu.vector_load %arg9[%get3A_311] {strides = array<i32>} : memref<4128xi32, #tpu.memory_space<vmem>>, vector<16xi32>,
          tpu.vector_store_idx %arg12[%get3A_312], %gather3A : memref<4128xf32, #tpu.memory_space<vmem>>[vector<16xi32>], vector<16xf32>,
          %mul3A_313 = arith.constant 2 : i32
          %mul3A_314 = arith.muli %mul3A_313, %while3A_302 : i32
          %add3A_315 = arith.constant 1 : i32
          %add3A_316 = arith.addi %mul3A_314, %add3A_315 : i32
          %mul3A_317 = arith.constant 16 : i32
          %mul3A_318 = arith.muli %add3A_316, %mul3A_317 : i32
          %get3A_319 = arith.index_cast %mul3A_318 : i32 to index
          %get3A_320 = tpu.vector_load %arg8[%get3A_319] {strides = array<i32>} : memref<4128xi32, #tpu.memory_space<vmem>>, vector<16xi32>,
          %gather3A_321 = tpu.vector_load_idx %arg5[%get3A_320] : memref<50048xf32, #tpu.memory_space<vmem>>[vector<16xi32>], vector<16xf32>,
          %get3A_322 = arith.index_cast %mul3A_318 : i32 to index
          %get3A_323 = tpu.vector_load %arg9[%get3A_322] {strides = array<i32>} : memref<4128xi32, #tpu.memory_space<vmem>>, vector<16xi32>,
          tpu.vector_store_idx %arg12[%get3A_323], %gather3A_321 : memref<4128xf32, #tpu.memory_space<vmem>>[vector<16xi32>], vector<16xf32>,
          %while3A_324 = arith.constant 0 : i32
          scf.yield %while3A_324 : i32
        }
        %add3A_233 = arith.constant 1 : i32
        %add3A_234 = arith.addi %while3A_182, %add3A_233 : i32
        %lt3A_235 = arith.cmpi slt, %add3A_234, %add3A_110 : i32
        %convert_element_type3A_236 = arith.extui %lt3A_235 : i1 to i32
        %cond3A_237 = arith.constant 0 : i32
        %cond3A_238 = arith.cmpi ne, %convert_element_type3A_236, %cond3A_237 : i32
        scf.if %cond3A_238 {
          %add3A_302 = arith.constant 1 : i32
          %add3A_303 = arith.addi %while3A_182, %add3A_302 : i32
          %dma_start3A_304 = arith.constant 0 : i32
          %dma_start3A_305 = tpu.memref_slice %arg3[%add3A_303, %dma_start3A_304] : memref<1664x100000xf32, #tpu.memory_space<hbm>> -> memref<1x50048xf32, #tpu.memory_space<hbm>>
          %dma_start3A_306 = tpu.memref_squeeze %dma_start3A_305 : memref<1x50048xf32, #tpu.memory_space<hbm>> -> memref<50048xf32, #tpu.memory_space<hbm>>
          %dma_start3A_307 = arith.constant 0 : i32
          %dma_start3A_308 = tpu.memref_slice %arg3[%add3A_303, %dma_start3A_307] : memref<1664x100000xf32, #tpu.memory_space<hbm>> -> memref<1x50048xf32, #tpu.memory_space<hbm>>
          %dma_start3A_309 = tpu.memref_squeeze %dma_start3A_308 : memref<1x50048xf32, #tpu.memory_space<hbm>> -> memref<50048xf32, #tpu.memory_space<hbm>>
          tpu.enqueue_dma source(%dma_start3A_309 : memref<50048xf32, #tpu.memory_space<hbm>>) target(%arg5 : memref<50048xf32, #tpu.memory_space<vmem>>) target_semaphore(%arg13 : memref<!tpu.dma_semaphore, #tpu.memory_space<semaphore_mem>>)
        } else {
        }
        %dma_wait3A_239 = arith.constant 50048 : i32
        %dma_wait3A_240 = tpu.memref_slice %arg3[%while3A_182, %dma_wait3A_239] : memref<1664x100000xf32, #tpu.memory_space<hbm>> -> memref<1x49952xf32, #tpu.memory_space<hbm>>
        %dma_wait3A_241 = tpu.memref_squeeze %dma_wait3A_240 : memref<1x49952xf32, #tpu.memory_space<hbm>> -> memref<49952xf32, #tpu.memory_space<hbm>>
        %dma_wait3A_242 = arith.constant 50048 : i32
        %dma_wait3A_243 = tpu.memref_slice %arg3[%while3A_182, %dma_wait3A_242] : memref<1664x100000xf32, #tpu.memory_space<hbm>> -> memref<1x49952xf32, #tpu.memory_space<hbm>>
        %dma_wait3A_244 = tpu.memref_squeeze %dma_wait3A_243 : memref<1x49952xf32, #tpu.memory_space<hbm>> -> memref<49952xf32, #tpu.memory_space<hbm>>
        tpu.wait_dma2 semaphore(%arg14 : memref<!tpu.dma_semaphore, #tpu.memory_space<semaphore_mem>>) src(%dma_wait3A_244 : memref<49952xf32, #tpu.memory_space<hbm>>) dst(%arg6 : memref<49952xf32, #tpu.memory_space<vmem>>)
        %add3A_245 = arith.constant 32 : i32
        %add3A_246 = arith.addi %scan3A_117#1, %add3A_245 : i32
        %sub3A_247 = arith.constant 1 : i32
        %sub3A_248 = arith.subi %add3A_246, %sub3A_247 : i32
        %jit3A_249 = arith.constant 32 : i32
        %div3A_250 = arith.divsi %sub3A_248, %jit3A_249 : i32
        %sign3A_251 = arith.constant 0 : i32
        %sign3A_252 = arith.cmpi sgt, %sub3A_248, %sign3A_251 : i32
        %sign3A_253 = arith.extui %sign3A_252 : i1 to i32
        %sign3A_254 = arith.constant 0 : i32
        %sign3A_255 = arith.cmpi slt, %sub3A_248, %sign3A_254 : i32
        %sign3A_256 = arith.extui %sign3A_255 : i1 to i32
        %sign3A_257 = arith.subi %sign3A_253, %sign3A_256 : i32
        %sign3A_258 = arith.constant 0 : i32
        %sign3A_259 = arith.cmpi sgt, %jit3A_249, %sign3A_258 : i32
        %sign3A_260 = arith.extui %sign3A_259 : i1 to i32
        %sign3A_261 = arith.constant 0 : i32
        %sign3A_262 = arith.cmpi slt, %jit3A_249, %sign3A_261 : i32
        %sign3A_263 = arith.extui %sign3A_262 : i1 to i32
        %sign3A_264 = arith.subi %sign3A_260, %sign3A_263 : i32
        %ne3A_265 = arith.cmpi ne, %sign3A_257, %sign3A_264 : i32
        %rem3A_266 = arith.remsi %sub3A_248, %jit3A_249 : i32
        %ne3A_267 = arith.constant 0 : i32
        %ne3A_268 = arith.cmpi ne, %rem3A_266, %ne3A_267 : i32
        %and3A_269 = arith.andi %ne3A_265, %ne3A_268 : i1
        %sub3A_270 = arith.constant 1 : i32
        %sub3A_271 = arith.subi %div3A_250, %sub3A_270 : i32
        %select_n3A_272 = arith.select %and3A_269, %sub3A_271, %div3A_250 : i32
        %while3A_273 = arith.constant 0 : i32
        %while3A_274 = arith.constant 0 : i32
        %while3A_275 = arith.subi %select_n3A_272, %while3A_273 : i32
        %while3A_276 = arith.addi %while3A_273, %while3A_275 : i32
        %while3A_277 = arith.constant 1 : i32
        %while3A_278 = arith.divsi %while3A_275, %while3A_277 : i32
        %while3A_279 = arith.muli %while3A_278, %while3A_277 : i32
        %while3A_280 = arith.addi %while3A_273, %while3A_279 : i32
        %while3A_281 = arith.constant 1 : i32
        %while3A_282 = scf.for %while3A_302 = %while3A_273 to %while3A_280 step %while3A_281 iter_args(%while3A_303 = %while3A_274) -> (i32)  : i32 {
          %mul3A_304 = arith.constant 2 : i32
          %mul3A_305 = arith.muli %mul3A_304, %while3A_302 : i32
          %add3A_306 = arith.constant 0 : i32
          %add3A_307 = arith.addi %mul3A_305, %add3A_306 : i32
          %mul3A_308 = arith.constant 16 : i32
          %mul3A_309 = arith.muli %add3A_307, %mul3A_308 : i32
          %get3A = arith.index_cast %mul3A_309 : i32 to index
          %get3A_310 = tpu.vector_load %arg10[%get3A] {strides = array<i32>} : memref<4128xi32, #tpu.memory_space<vmem>>, vector<16xi32>,
          %gather3A = tpu.vector_load_idx %arg6[%get3A_310] : memref<49952xf32, #tpu.memory_space<vmem>>[vector<16xi32>], vector<16xf32>,
          %get3A_311 = arith.index_cast %mul3A_309 : i32 to index
          %get3A_312 = tpu.vector_load %arg11[%get3A_311] {strides = array<i32>} : memref<4128xi32, #tpu.memory_space<vmem>>, vector<16xi32>,
          tpu.vector_store_idx %arg12[%get3A_312], %gather3A : memref<4128xf32, #tpu.memory_space<vmem>>[vector<16xi32>], vector<16xf32>,
          %mul3A_313 = arith.constant 2 : i32
          %mul3A_314 = arith.muli %mul3A_313, %while3A_302 : i32
          %add3A_315 = arith.constant 1 : i32
          %add3A_316 = arith.addi %mul3A_314, %add3A_315 : i32
          %mul3A_317 = arith.constant 16 : i32
          %mul3A_318 = arith.muli %add3A_316, %mul3A_317 : i32
          %get3A_319 = arith.index_cast %mul3A_318 : i32 to index
          %get3A_320 = tpu.vector_load %arg10[%get3A_319] {strides = array<i32>} : memref<4128xi32, #tpu.memory_space<vmem>>, vector<16xi32>,
          %gather3A_321 = tpu.vector_load_idx %arg6[%get3A_320] : memref<49952xf32, #tpu.memory_space<vmem>>[vector<16xi32>], vector<16xf32>,
          %get3A_322 = arith.index_cast %mul3A_318 : i32 to index
          %get3A_323 = tpu.vector_load %arg11[%get3A_322] {strides = array<i32>} : memref<4128xi32, #tpu.memory_space<vmem>>, vector<16xi32>,
          tpu.vector_store_idx %arg12[%get3A_323], %gather3A_321 : memref<4128xf32, #tpu.memory_space<vmem>>[vector<16xi32>], vector<16xf32>,
          %while3A_324 = arith.constant 0 : i32
          scf.yield %while3A_324 : i32
        }
        %while3A_283 = arith.constant 1 : i32
        %while3A_284 = scf.for %while3A_302 = %while3A_280 to %while3A_276 step %while3A_283 iter_args(%while3A_303 = %while3A_282) -> (i32)  : i32 {
          %mul3A_304 = arith.constant 2 : i32
          %mul3A_305 = arith.muli %mul3A_304, %while3A_302 : i32
          %add3A_306 = arith.constant 0 : i32
          %add3A_307 = arith.addi %mul3A_305, %add3A_306 : i32
          %mul3A_308 = arith.constant 16 : i32
          %mul3A_309 = arith.muli %add3A_307, %mul3A_308 : i32
          %get3A = arith.index_cast %mul3A_309 : i32 to index
          %get3A_310 = tpu.vector_load %arg10[%get3A] {strides = array<i32>} : memref<4128xi32, #tpu.memory_space<vmem>>, vector<16xi32>,
          %gather3A = tpu.vector_load_idx %arg6[%get3A_310] : memref<49952xf32, #tpu.memory_space<vmem>>[vector<16xi32>], vector<16xf32>,
          %get3A_311 = arith.index_cast %mul3A_309 : i32 to index
          %get3A_312 = tpu.vector_load %arg11[%get3A_311] {strides = array<i32>} : memref<4128xi32, #tpu.memory_space<vmem>>, vector<16xi32>,
          tpu.vector_store_idx %arg12[%get3A_312], %gather3A : memref<4128xf32, #tpu.memory_space<vmem>>[vector<16xi32>], vector<16xf32>,
          %mul3A_313 = arith.constant 2 : i32
          %mul3A_314 = arith.muli %mul3A_313, %while3A_302 : i32
          %add3A_315 = arith.constant 1 : i32
          %add3A_316 = arith.addi %mul3A_314, %add3A_315 : i32
          %mul3A_317 = arith.constant 16 : i32
          %mul3A_318 = arith.muli %add3A_316, %mul3A_317 : i32
          %get3A_319 = arith.index_cast %mul3A_318 : i32 to index
          %get3A_320 = tpu.vector_load %arg10[%get3A_319] {strides = array<i32>} : memref<4128xi32, #tpu.memory_space<vmem>>, vector<16xi32>,
          %gather3A_321 = tpu.vector_load_idx %arg6[%get3A_320] : memref<49952xf32, #tpu.memory_space<vmem>>[vector<16xi32>], vector<16xf32>,
          %get3A_322 = arith.index_cast %mul3A_318 : i32 to index
          %get3A_323 = tpu.vector_load %arg11[%get3A_322] {strides = array<i32>} : memref<4128xi32, #tpu.memory_space<vmem>>, vector<16xi32>,
          tpu.vector_store_idx %arg12[%get3A_323], %gather3A_321 : memref<4128xf32, #tpu.memory_space<vmem>>[vector<16xi32>], vector<16xf32>,
          %while3A_324 = arith.constant 0 : i32
          scf.yield %while3A_324 : i32
        }
        %add3A_285 = arith.constant 1 : i32
        %add3A_286 = arith.addi %while3A_182, %add3A_285 : i32
        %lt3A_287 = arith.cmpi slt, %add3A_286, %add3A_110 : i32
        %convert_element_type3A_288 = arith.extui %lt3A_287 : i1 to i32
        %cond3A_289 = arith.constant 0 : i32
        %cond3A_290 = arith.cmpi ne, %convert_element_type3A_288, %cond3A_289 : i32
        scf.if %cond3A_290 {
          %add3A_302 = arith.constant 1 : i32
          %add3A_303 = arith.addi %while3A_182, %add3A_302 : i32
          %dma_start3A_304 = arith.constant 50048 : i32
          %dma_start3A_305 = tpu.memref_slice %arg3[%add3A_303, %dma_start3A_304] : memref<1664x100000xf32, #tpu.memory_space<hbm>> -> memref<1x49952xf32, #tpu.memory_space<hbm>>
          %dma_start3A_306 = tpu.memref_squeeze %dma_start3A_305 : memref<1x49952xf32, #tpu.memory_space<hbm>> -> memref<49952xf32, #tpu.memory_space<hbm>>
          %dma_start3A_307 = arith.constant 50048 : i32
          %dma_start3A_308 = tpu.memref_slice %arg3[%add3A_303, %dma_start3A_307] : memref<1664x100000xf32, #tpu.memory_space<hbm>> -> memref<1x49952xf32, #tpu.memory_space<hbm>>
          %dma_start3A_309 = tpu.memref_squeeze %dma_start3A_308 : memref<1x49952xf32, #tpu.memory_space<hbm>> -> memref<49952xf32, #tpu.memory_space<hbm>>
          tpu.enqueue_dma source(%dma_start3A_309 : memref<49952xf32, #tpu.memory_space<hbm>>) target(%arg6 : memref<49952xf32, #tpu.memory_space<vmem>>) target_semaphore(%arg14 : memref<!tpu.dma_semaphore, #tpu.memory_space<semaphore_mem>>)
        } else {
        }
        %dma_start3A_291 = arith.constant 0 : i32
        %dma_start3A_292 = tpu.memref_slice %arg12[%dma_start3A_291] : memref<4128xf32, #tpu.memory_space<vmem>> -> memref<4096xf32, #tpu.memory_space<vmem>>
        %dma_start3A_293 = arith.constant 0 : i32
        %dma_start3A_294 = tpu.memref_slice %arg4[%while3A_182, %dma_start3A_293] : memref<1664x4096xf32, #tpu.memory_space<hbm>> -> memref<1x4096xf32, #tpu.memory_space<hbm>>
        %dma_start3A_295 = tpu.memref_squeeze %dma_start3A_294 : memref<1x4096xf32, #tpu.memory_space<hbm>> -> memref<4096xf32, #tpu.memory_space<hbm>>
        %dma_start3A_296 = arith.constant 0 : i32
        %dma_start3A_297 = tpu.memref_slice %arg4[%while3A_182, %dma_start3A_296] : memref<1664x4096xf32, #tpu.memory_space<hbm>> -> memref<1x4096xf32, #tpu.memory_space<hbm>>
        %dma_start3A_298 = tpu.memref_squeeze %dma_start3A_297 : memref<1x4096xf32, #tpu.memory_space<hbm>> -> memref<4096xf32, #tpu.memory_space<hbm>>
        %dma_start3A_299 = arith.constant 0 : i32
        %dma_start3A_300 = tpu.memref_slice %arg12[%dma_start3A_299] : memref<4128xf32, #tpu.memory_space<vmem>> -> memref<4096xf32, #tpu.memory_space<vmem>>
        tpu.enqueue_dma source(%dma_start3A_300 : memref<4096xf32, #tpu.memory_space<vmem>>) target(%dma_start3A_298 : memref<4096xf32, #tpu.memory_space<hbm>>) target_semaphore(%arg15 : memref<!tpu.dma_semaphore, #tpu.memory_space<semaphore_mem>>)
        %while3A_301 = arith.constant 0 : i32
        scf.yield %while3A_301 : i32
      }
      %while3A_180 = arith.constant 1 : i32
      %while3A_181 = scf.for %while3A_182 = %while3A_177 to %while3A_173 step %while3A_180 iter_args(%while3A_183 = %while3A_179) -> (i32)  : i32 {
        %dma_wait3A_184 = arith.constant 0 : i32
        %dma_wait3A_185 = tpu.memref_slice %arg3[%while3A_182, %dma_wait3A_184] : memref<1664x100000xf32, #tpu.memory_space<hbm>> -> memref<1x50048xf32, #tpu.memory_space<hbm>>
        %dma_wait3A_186 = tpu.memref_squeeze %dma_wait3A_185 : memref<1x50048xf32, #tpu.memory_space<hbm>> -> memref<50048xf32, #tpu.memory_space<hbm>>
        %dma_wait3A_187 = arith.constant 0 : i32
        %dma_wait3A_188 = tpu.memref_slice %arg3[%while3A_182, %dma_wait3A_187] : memref<1664x100000xf32, #tpu.memory_space<hbm>> -> memref<1x50048xf32, #tpu.memory_space<hbm>>
        %dma_wait3A_189 = tpu.memref_squeeze %dma_wait3A_188 : memref<1x50048xf32, #tpu.memory_space<hbm>> -> memref<50048xf32, #tpu.memory_space<hbm>>
        tpu.wait_dma2 semaphore(%arg13 : memref<!tpu.dma_semaphore, #tpu.memory_space<semaphore_mem>>) src(%dma_wait3A_189 : memref<50048xf32, #tpu.memory_space<hbm>>) dst(%arg5 : memref<50048xf32, #tpu.memory_space<vmem>>)
        %gt3A = arith.cmpi sgt, %while3A_182, %mul3A_2 : i32
        %convert_element_type3A_190 = arith.extui %gt3A : i1 to i32
        %cond3A_191 = arith.constant 0 : i32
        %cond3A_192 = arith.cmpi ne, %convert_element_type3A_190, %cond3A_191 : i32
        scf.if %cond3A_192 {
          %sub3A_302 = arith.constant 1 : i32
          %sub3A_303 = arith.subi %while3A_182, %sub3A_302 : i32
          %dma_wait3A_304 = arith.constant 0 : i32
          %dma_wait3A_305 = tpu.memref_slice %arg12[%dma_wait3A_304] : memref<4128xf32, #tpu.memory_space<vmem>> -> memref<4096xf32, #tpu.memory_space<vmem>>
          %dma_wait3A_306 = arith.constant 0 : i32
          %dma_wait3A_307 = tpu.memref_slice %arg4[%sub3A_303, %dma_wait3A_306] : memref<1664x4096xf32, #tpu.memory_space<hbm>> -> memref<1x4096xf32, #tpu.memory_space<hbm>>
          %dma_wait3A_308 = tpu.memref_squeeze %dma_wait3A_307 : memref<1x4096xf32, #tpu.memory_space<hbm>> -> memref<4096xf32, #tpu.memory_space<hbm>>
          %dma_wait3A_309 = arith.constant 0 : i32
          %dma_wait3A_310 = tpu.memref_slice %arg4[%sub3A_303, %dma_wait3A_309] : memref<1664x4096xf32, #tpu.memory_space<hbm>> -> memref<1x4096xf32, #tpu.memory_space<hbm>>
          %dma_wait3A_311 = tpu.memref_squeeze %dma_wait3A_310 : memref<1x4096xf32, #tpu.memory_space<hbm>> -> memref<4096xf32, #tpu.memory_space<hbm>>
          %dma_wait3A_312 = arith.constant 0 : i32
          %dma_wait3A_313 = tpu.memref_slice %arg12[%dma_wait3A_312] : memref<4128xf32, #tpu.memory_space<vmem>> -> memref<4096xf32, #tpu.memory_space<vmem>>
          tpu.wait_dma2 semaphore(%arg15 : memref<!tpu.dma_semaphore, #tpu.memory_space<semaphore_mem>>) src(%dma_wait3A_313 : memref<4096xf32, #tpu.memory_space<vmem>>) dst(%dma_wait3A_311 : memref<4096xf32, #tpu.memory_space<hbm>>)
        } else {
        }
        %add3A_193 = arith.constant 32 : i32
        %add3A_194 = arith.addi %scan3A_117#0, %add3A_193 : i32
        %sub3A_195 = arith.constant 1 : i32
        %sub3A_196 = arith.subi %add3A_194, %sub3A_195 : i32
        %jit3A_197 = arith.constant 32 : i32
        %div3A_198 = arith.divsi %sub3A_196, %jit3A_197 : i32
        %sign3A_199 = arith.constant 0 : i32
        %sign3A_200 = arith.cmpi sgt, %sub3A_196, %sign3A_199 : i32
        %sign3A_201 = arith.extui %sign3A_200 : i1 to i32
        %sign3A_202 = arith.constant 0 : i32
        %sign3A_203 = arith.cmpi slt, %sub3A_196, %sign3A_202 : i32
        %sign3A_204 = arith.extui %sign3A_203 : i1 to i32
        %sign3A_205 = arith.subi %sign3A_201, %sign3A_204 : i32
        %sign3A_206 = arith.constant 0 : i32
        %sign3A_207 = arith.cmpi sgt, %jit3A_197, %sign3A_206 : i32
        %sign3A_208 = arith.extui %sign3A_207 : i1 to i32
        %sign3A_209 = arith.constant 0 : i32
        %sign3A_210 = arith.cmpi slt, %jit3A_197, %sign3A_209 : i32
        %sign3A_211 = arith.extui %sign3A_210 : i1 to i32
        %sign3A_212 = arith.subi %sign3A_208, %sign3A_211 : i32
        %ne3A_213 = arith.cmpi ne, %sign3A_205, %sign3A_212 : i32
        %rem3A_214 = arith.remsi %sub3A_196, %jit3A_197 : i32
        %ne3A_215 = arith.constant 0 : i32
        %ne3A_216 = arith.cmpi ne, %rem3A_214, %ne3A_215 : i32
        %and3A_217 = arith.andi %ne3A_213, %ne3A_216 : i1
        %sub3A_218 = arith.constant 1 : i32
        %sub3A_219 = arith.subi %div3A_198, %sub3A_218 : i32
        %select_n3A_220 = arith.select %and3A_217, %sub3A_219, %div3A_198 : i32
        %while3A_221 = arith.constant 0 : i32
        %while3A_222 = arith.constant 0 : i32
        %while3A_223 = arith.subi %select_n3A_220, %while3A_221 : i32
        %while3A_224 = arith.addi %while3A_221, %while3A_223 : i32
        %while3A_225 = arith.constant 1 : i32
        %while3A_226 = arith.divsi %while3A_223, %while3A_225 : i32
        %while3A_227 = arith.muli %while3A_226, %while3A_225 : i32
        %while3A_228 = arith.addi %while3A_221, %while3A_227 : i32
        %while3A_229 = arith.constant 1 : i32
        %while3A_230 = scf.for %while3A_302 = %while3A_221 to %while3A_228 step %while3A_229 iter_args(%while3A_303 = %while3A_222) -> (i32)  : i32 {
          %mul3A_304 = arith.constant 2 : i32
          %mul3A_305 = arith.muli %mul3A_304, %while3A_302 : i32
          %add3A_306 = arith.constant 0 : i32
          %add3A_307 = arith.addi %mul3A_305, %add3A_306 : i32
          %mul3A_308 = arith.constant 16 : i32
          %mul3A_309 = arith.muli %add3A_307, %mul3A_308 : i32
          %get3A = arith.index_cast %mul3A_309 : i32 to index
          %get3A_310 = tpu.vector_load %arg8[%get3A] {strides = array<i32>} : memref<4128xi32, #tpu.memory_space<vmem>>, vector<16xi32>,
          %gather3A = tpu.vector_load_idx %arg5[%get3A_310] : memref<50048xf32, #tpu.memory_space<vmem>>[vector<16xi32>], vector<16xf32>,
          %get3A_311 = arith.index_cast %mul3A_309 : i32 to index
          %get3A_312 = tpu.vector_load %arg9[%get3A_311] {strides = array<i32>} : memref<4128xi32, #tpu.memory_space<vmem>>, vector<16xi32>,
          tpu.vector_store_idx %arg12[%get3A_312], %gather3A : memref<4128xf32, #tpu.memory_space<vmem>>[vector<16xi32>], vector<16xf32>,
          %mul3A_313 = arith.constant 2 : i32
          %mul3A_314 = arith.muli %mul3A_313, %while3A_302 : i32
          %add3A_315 = arith.constant 1 : i32
          %add3A_316 = arith.addi %mul3A_314, %add3A_315 : i32
          %mul3A_317 = arith.constant 16 : i32
          %mul3A_318 = arith.muli %add3A_316, %mul3A_317 : i32
          %get3A_319 = arith.index_cast %mul3A_318 : i32 to index
          %get3A_320 = tpu.vector_load %arg8[%get3A_319] {strides = array<i32>} : memref<4128xi32, #tpu.memory_space<vmem>>, vector<16xi32>,
          %gather3A_321 = tpu.vector_load_idx %arg5[%get3A_320] : memref<50048xf32, #tpu.memory_space<vmem>>[vector<16xi32>], vector<16xf32>,
          %get3A_322 = arith.index_cast %mul3A_318 : i32 to index
          %get3A_323 = tpu.vector_load %arg9[%get3A_322] {strides = array<i32>} : memref<4128xi32, #tpu.memory_space<vmem>>, vector<16xi32>,
          tpu.vector_store_idx %arg12[%get3A_323], %gather3A_321 : memref<4128xf32, #tpu.memory_space<vmem>>[vector<16xi32>], vector<16xf32>,
          %while3A_324 = arith.constant 0 : i32
          scf.yield %while3A_324 : i32
        }
        %while3A_231 = arith.constant 1 : i32
        %while3A_232 = scf.for %while3A_302 = %while3A_228 to %while3A_224 step %while3A_231 iter_args(%while3A_303 = %while3A_230) -> (i32)  : i32 {
          %mul3A_304 = arith.constant 2 : i32
          %mul3A_305 = arith.muli %mul3A_304, %while3A_302 : i32
          %add3A_306 = arith.constant 0 : i32
          %add3A_307 = arith.addi %mul3A_305, %add3A_306 : i32
          %mul3A_308 = arith.constant 16 : i32
          %mul3A_309 = arith.muli %add3A_307, %mul3A_308 : i32
          %get3A = arith.index_cast %mul3A_309 : i32 to index
          %get3A_310 = tpu.vector_load %arg8[%get3A] {strides = array<i32>} : memref<4128xi32, #tpu.memory_space<vmem>>, vector<16xi32>,
          %gather3A = tpu.vector_load_idx %arg5[%get3A_310] : memref<50048xf32, #tpu.memory_space<vmem>>[vector<16xi32>], vector<16xf32>,
          %get3A_311 = arith.index_cast %mul3A_309 : i32 to index
          %get3A_312 = tpu.vector_load %arg9[%get3A_311] {strides = array<i32>} : memref<4128xi32, #tpu.memory_space<vmem>>, vector<16xi32>,
          tpu.vector_store_idx %arg12[%get3A_312], %gather3A : memref<4128xf32, #tpu.memory_space<vmem>>[vector<16xi32>], vector<16xf32>,
          %mul3A_313 = arith.constant 2 : i32
          %mul3A_314 = arith.muli %mul3A_313, %while3A_302 : i32
          %add3A_315 = arith.constant 1 : i32
          %add3A_316 = arith.addi %mul3A_314, %add3A_315 : i32
          %mul3A_317 = arith.constant 16 : i32
          %mul3A_318 = arith.muli %add3A_316, %mul3A_317 : i32
          %get3A_319 = arith.index_cast %mul3A_318 : i32 to index
          %get3A_320 = tpu.vector_load %arg8[%get3A_319] {strides = array<i32>} : memref<4128xi32, #tpu.memory_space<vmem>>, vector<16xi32>,
          %gather3A_321 = tpu.vector_load_idx %arg5[%get3A_320] : memref<50048xf32, #tpu.memory_space<vmem>>[vector<16xi32>], vector<16xf32>,
          %get3A_322 = arith.index_cast %mul3A_318 : i32 to index
          %get3A_323 = tpu.vector_load %arg9[%get3A_322] {strides = array<i32>} : memref<4128xi32, #tpu.memory_space<vmem>>, vector<16xi32>,
          tpu.vector_store_idx %arg12[%get3A_323], %gather3A_321 : memref<4128xf32, #tpu.memory_space<vmem>>[vector<16xi32>], vector<16xf32>,
          %while3A_324 = arith.constant 0 : i32
          scf.yield %while3A_324 : i32
        }
        %add3A_233 = arith.constant 1 : i32
        %add3A_234 = arith.addi %while3A_182, %add3A_233 : i32
        %lt3A_235 = arith.cmpi slt, %add3A_234, %add3A_110 : i32
        %convert_element_type3A_236 = arith.extui %lt3A_235 : i1 to i32
        %cond3A_237 = arith.constant 0 : i32
        %cond3A_238 = arith.cmpi ne, %convert_element_type3A_236, %cond3A_237 : i32
        scf.if %cond3A_238 {
          %add3A_302 = arith.constant 1 : i32
          %add3A_303 = arith.addi %while3A_182, %add3A_302 : i32
          %dma_start3A_304 = arith.constant 0 : i32
          %dma_start3A_305 = tpu.memref_slice %arg3[%add3A_303, %dma_start3A_304] : memref<1664x100000xf32, #tpu.memory_space<hbm>> -> memref<1x50048xf32, #tpu.memory_space<hbm>>
          %dma_start3A_306 = tpu.memref_squeeze %dma_start3A_305 : memref<1x50048xf32, #tpu.memory_space<hbm>> -> memref<50048xf32, #tpu.memory_space<hbm>>
          %dma_start3A_307 = arith.constant 0 : i32
          %dma_start3A_308 = tpu.memref_slice %arg3[%add3A_303, %dma_start3A_307] : memref<1664x100000xf32, #tpu.memory_space<hbm>> -> memref<1x50048xf32, #tpu.memory_space<hbm>>
          %dma_start3A_309 = tpu.memref_squeeze %dma_start3A_308 : memref<1x50048xf32, #tpu.memory_space<hbm>> -> memref<50048xf32, #tpu.memory_space<hbm>>
          tpu.enqueue_dma source(%dma_start3A_309 : memref<50048xf32, #tpu.memory_space<hbm>>) target(%arg5 : memref<50048xf32, #tpu.memory_space<vmem>>) target_semaphore(%arg13 : memref<!tpu.dma_semaphore, #tpu.memory_space<semaphore_mem>>)
        } else {
        }
        %dma_wait3A_239 = arith.constant 50048 : i32
        %dma_wait3A_240 = tpu.memref_slice %arg3[%while3A_182, %dma_wait3A_239] : memref<1664x100000xf32, #tpu.memory_space<hbm>> -> memref<1x49952xf32, #tpu.memory_space<hbm>>
        %dma_wait3A_241 = tpu.memref_squeeze %dma_wait3A_240 : memref<1x49952xf32, #tpu.memory_space<hbm>> -> memref<49952xf32, #tpu.memory_space<hbm>>
        %dma_wait3A_242 = arith.constant 50048 : i32
        %dma_wait3A_243 = tpu.memref_slice %arg3[%while3A_182, %dma_wait3A_242] : memref<1664x100000xf32, #tpu.memory_space<hbm>> -> memref<1x49952xf32, #tpu.memory_space<hbm>>
        %dma_wait3A_244 = tpu.memref_squeeze %dma_wait3A_243 : memref<1x49952xf32, #tpu.memory_space<hbm>> -> memref<49952xf32, #tpu.memory_space<hbm>>
        tpu.wait_dma2 semaphore(%arg14 : memref<!tpu.dma_semaphore, #tpu.memory_space<semaphore_mem>>) src(%dma_wait3A_244 : memref<49952xf32, #tpu.memory_space<hbm>>) dst(%arg6 : memref<49952xf32, #tpu.memory_space<vmem>>)
        %add3A_245 = arith.constant 32 : i32
        %add3A_246 = arith.addi %scan3A_117#1, %add3A_245 : i32
        %sub3A_247 = arith.constant 1 : i32
        %sub3A_248 = arith.subi %add3A_246, %sub3A_247 : i32
        %jit3A_249 = arith.constant 32 : i32
        %div3A_250 = arith.divsi %sub3A_248, %jit3A_249 : i32
        %sign3A_251 = arith.constant 0 : i32
        %sign3A_252 = arith.cmpi sgt, %sub3A_248, %sign3A_251 : i32
        %sign3A_253 = arith.extui %sign3A_252 : i1 to i32
        %sign3A_254 = arith.constant 0 : i32
        %sign3A_255 = arith.cmpi slt, %sub3A_248, %sign3A_254 : i32
        %sign3A_256 = arith.extui %sign3A_255 : i1 to i32
        %sign3A_257 = arith.subi %sign3A_253, %sign3A_256 : i32
        %sign3A_258 = arith.constant 0 : i32
        %sign3A_259 = arith.cmpi sgt, %jit3A_249, %sign3A_258 : i32
        %sign3A_260 = arith.extui %sign3A_259 : i1 to i32
        %sign3A_261 = arith.constant 0 : i32
        %sign3A_262 = arith.cmpi slt, %jit3A_249, %sign3A_261 : i32
        %sign3A_263 = arith.extui %sign3A_262 : i1 to i32
        %sign3A_264 = arith.subi %sign3A_260, %sign3A_263 : i32
        %ne3A_265 = arith.cmpi ne, %sign3A_257, %sign3A_264 : i32
        %rem3A_266 = arith.remsi %sub3A_248, %jit3A_249 : i32
        %ne3A_267 = arith.constant 0 : i32
        %ne3A_268 = arith.cmpi ne, %rem3A_266, %ne3A_267 : i32
        %and3A_269 = arith.andi %ne3A_265, %ne3A_268 : i1
        %sub3A_270 = arith.constant 1 : i32
        %sub3A_271 = arith.subi %div3A_250, %sub3A_270 : i32
        %select_n3A_272 = arith.select %and3A_269, %sub3A_271, %div3A_250 : i32
        %while3A_273 = arith.constant 0 : i32
        %while3A_274 = arith.constant 0 : i32
        %while3A_275 = arith.subi %select_n3A_272, %while3A_273 : i32
        %while3A_276 = arith.addi %while3A_273, %while3A_275 : i32
        %while3A_277 = arith.constant 1 : i32
        %while3A_278 = arith.divsi %while3A_275, %while3A_277 : i32
        %while3A_279 = arith.muli %while3A_278, %while3A_277 : i32
        %while3A_280 = arith.addi %while3A_273, %while3A_279 : i32
        %while3A_281 = arith.constant 1 : i32
        %while3A_282 = scf.for %while3A_302 = %while3A_273 to %while3A_280 step %while3A_281 iter_args(%while3A_303 = %while3A_274) -> (i32)  : i32 {
          %mul3A_304 = arith.constant 2 : i32
          %mul3A_305 = arith.muli %mul3A_304, %while3A_302 : i32
          %add3A_306 = arith.constant 0 : i32
          %add3A_307 = arith.addi %mul3A_305, %add3A_306 : i32
          %mul3A_308 = arith.constant 16 : i32
          %mul3A_309 = arith.muli %add3A_307, %mul3A_308 : i32
          %get3A = arith.index_cast %mul3A_309 : i32 to index
          %get3A_310 = tpu.vector_load %arg10[%get3A] {strides = array<i32>} : memref<4128xi32, #tpu.memory_space<vmem>>, vector<16xi32>,
          %gather3A = tpu.vector_load_idx %arg6[%get3A_310] : memref<49952xf32, #tpu.memory_space<vmem>>[vector<16xi32>], vector<16xf32>,
          %get3A_311 = arith.index_cast %mul3A_309 : i32 to index
          %get3A_312 = tpu.vector_load %arg11[%get3A_311] {strides = array<i32>} : memref<4128xi32, #tpu.memory_space<vmem>>, vector<16xi32>,
          tpu.vector_store_idx %arg12[%get3A_312], %gather3A : memref<4128xf32, #tpu.memory_space<vmem>>[vector<16xi32>], vector<16xf32>,
          %mul3A_313 = arith.constant 2 : i32
          %mul3A_314 = arith.muli %mul3A_313, %while3A_302 : i32
          %add3A_315 = arith.constant 1 : i32
          %add3A_316 = arith.addi %mul3A_314, %add3A_315 : i32
          %mul3A_317 = arith.constant 16 : i32
          %mul3A_318 = arith.muli %add3A_316, %mul3A_317 : i32
          %get3A_319 = arith.index_cast %mul3A_318 : i32 to index
          %get3A_320 = tpu.vector_load %arg10[%get3A_319] {strides = array<i32>} : memref<4128xi32, #tpu.memory_space<vmem>>, vector<16xi32>,
          %gather3A_321 = tpu.vector_load_idx %arg6[%get3A_320] : memref<49952xf32, #tpu.memory_space<vmem>>[vector<16xi32>], vector<16xf32>,
          %get3A_322 = arith.index_cast %mul3A_318 : i32 to index
          %get3A_323 = tpu.vector_load %arg11[%get3A_322] {strides = array<i32>} : memref<4128xi32, #tpu.memory_space<vmem>>, vector<16xi32>,
          tpu.vector_store_idx %arg12[%get3A_323], %gather3A_321 : memref<4128xf32, #tpu.memory_space<vmem>>[vector<16xi32>], vector<16xf32>,
          %while3A_324 = arith.constant 0 : i32
          scf.yield %while3A_324 : i32
        }
        %while3A_283 = arith.constant 1 : i32
        %while3A_284 = scf.for %while3A_302 = %while3A_280 to %while3A_276 step %while3A_283 iter_args(%while3A_303 = %while3A_282) -> (i32)  : i32 {
          %mul3A_304 = arith.constant 2 : i32
          %mul3A_305 = arith.muli %mul3A_304, %while3A_302 : i32
          %add3A_306 = arith.constant 0 : i32
          %add3A_307 = arith.addi %mul3A_305, %add3A_306 : i32
          %mul3A_308 = arith.constant 16 : i32
          %mul3A_309 = arith.muli %add3A_307, %mul3A_308 : i32
          %get3A = arith.index_cast %mul3A_309 : i32 to index
          %get3A_310 = tpu.vector_load %arg10[%get3A] {strides = array<i32>} : memref<4128xi32, #tpu.memory_space<vmem>>, vector<16xi32>,
          %gather3A = tpu.vector_load_idx %arg6[%get3A_310] : memref<49952xf32, #tpu.memory_space<vmem>>[vector<16xi32>], vector<16xf32>,
          %get3A_311 = arith.index_cast %mul3A_309 : i32 to index
          %get3A_312 = tpu.vector_load %arg11[%get3A_311] {strides = array<i32>} : memref<4128xi32, #tpu.memory_space<vmem>>, vector<16xi32>,
          tpu.vector_store_idx %arg12[%get3A_312], %gather3A : memref<4128xf32, #tpu.memory_space<vmem>>[vector<16xi32>], vector<16xf32>,
          %mul3A_313 = arith.constant 2 : i32
          %mul3A_314 = arith.muli %mul3A_313, %while3A_302 : i32
          %add3A_315 = arith.constant 1 : i32
          %add3A_316 = arith.addi %mul3A_314, %add3A_315 : i32
          %mul3A_317 = arith.constant 16 : i32
          %mul3A_318 = arith.muli %add3A_316, %mul3A_317 : i32
          %get3A_319 = arith.index_cast %mul3A_318 : i32 to index
          %get3A_320 = tpu.vector_load %arg10[%get3A_319] {strides = array<i32>} : memref<4128xi32, #tpu.memory_space<vmem>>, vector<16xi32>,
          %gather3A_321 = tpu.vector_load_idx %arg6[%get3A_320] : memref<49952xf32, #tpu.memory_space<vmem>>[vector<16xi32>], vector<16xf32>,
          %get3A_322 = arith.index_cast %mul3A_318 : i32 to index
          %get3A_323 = tpu.vector_load %arg11[%get3A_322] {strides = array<i32>} : memref<4128xi32, #tpu.memory_space<vmem>>, vector<16xi32>,
          tpu.vector_store_idx %arg12[%get3A_323], %gather3A_321 : memref<4128xf32, #tpu.memory_space<vmem>>[vector<16xi32>], vector<16xf32>,
          %while3A_324 = arith.constant 0 : i32
          scf.yield %while3A_324 : i32
        }
        %add3A_285 = arith.constant 1 : i32
        %add3A_286 = arith.addi %while3A_182, %add3A_285 : i32
        %lt3A_287 = arith.cmpi slt, %add3A_286, %add3A_110 : i32
        %convert_element_type3A_288 = arith.extui %lt3A_287 : i1 to i32
        %cond3A_289 = arith.constant 0 : i32
        %cond3A_290 = arith.cmpi ne, %convert_element_type3A_288, %cond3A_289 : i32
        scf.if %cond3A_290 {
          %add3A_302 = arith.constant 1 : i32
          %add3A_303 = arith.addi %while3A_182, %add3A_302 : i32
          %dma_start3A_304 = arith.constant 50048 : i32
          %dma_start3A_305 = tpu.memref_slice %arg3[%add3A_303, %dma_start3A_304] : memref<1664x100000xf32, #tpu.memory_space<hbm>> -> memref<1x49952xf32, #tpu.memory_space<hbm>>
          %dma_start3A_306 = tpu.memref_squeeze %dma_start3A_305 : memref<1x49952xf32, #tpu.memory_space<hbm>> -> memref<49952xf32, #tpu.memory_space<hbm>>
          %dma_start3A_307 = arith.constant 50048 : i32
          %dma_start3A_308 = tpu.memref_slice %arg3[%add3A_303, %dma_start3A_307] : memref<1664x100000xf32, #tpu.memory_space<hbm>> -> memref<1x49952xf32, #tpu.memory_space<hbm>>
          %dma_start3A_309 = tpu.memref_squeeze %dma_start3A_308 : memref<1x49952xf32, #tpu.memory_space<hbm>> -> memref<49952xf32, #tpu.memory_space<hbm>>
          tpu.enqueue_dma source(%dma_start3A_309 : memref<49952xf32, #tpu.memory_space<hbm>>) target(%arg6 : memref<49952xf32, #tpu.memory_space<vmem>>) target_semaphore(%arg14 : memref<!tpu.dma_semaphore, #tpu.memory_space<semaphore_mem>>)
        } else {
        }
        %dma_start3A_291 = arith.constant 0 : i32
        %dma_start3A_292 = tpu.memref_slice %arg12[%dma_start3A_291] : memref<4128xf32, #tpu.memory_space<vmem>> -> memref<4096xf32, #tpu.memory_space<vmem>>
        %dma_start3A_293 = arith.constant 0 : i32
        %dma_start3A_294 = tpu.memref_slice %arg4[%while3A_182, %dma_start3A_293] : memref<1664x4096xf32, #tpu.memory_space<hbm>> -> memref<1x4096xf32, #tpu.memory_space<hbm>>
        %dma_start3A_295 = tpu.memref_squeeze %dma_start3A_294 : memref<1x4096xf32, #tpu.memory_space<hbm>> -> memref<4096xf32, #tpu.memory_space<hbm>>
        %dma_start3A_296 = arith.constant 0 : i32
        %dma_start3A_297 = tpu.memref_slice %arg4[%while3A_182, %dma_start3A_296] : memref<1664x4096xf32, #tpu.memory_space<hbm>> -> memref<1x4096xf32, #tpu.memory_space<hbm>>
        %dma_start3A_298 = tpu.memref_squeeze %dma_start3A_297 : memref<1x4096xf32, #tpu.memory_space<hbm>> -> memref<4096xf32, #tpu.memory_space<hbm>>
        %dma_start3A_299 = arith.constant 0 : i32
        %dma_start3A_300 = tpu.memref_slice %arg12[%dma_start3A_299] : memref<4128xf32, #tpu.memory_space<vmem>> -> memref<4096xf32, #tpu.memory_space<vmem>>
        tpu.enqueue_dma source(%dma_start3A_300 : memref<4096xf32, #tpu.memory_space<vmem>>) target(%dma_start3A_298 : memref<4096xf32, #tpu.memory_space<hbm>>) target_semaphore(%arg15 : memref<!tpu.dma_semaphore, #tpu.memory_space<semaphore_mem>>)
        %while3A_301 = arith.constant 0 : i32
        scf.yield %while3A_301 : i32
      }
    } else {
    }
    %add3A_94 = arith.constant 52 : i32
    %add3A_95 = arith.addi %mul3A_2, %add3A_94 : i32
    %sub3A_96 = arith.constant 1 : i32
    %sub3A_97 = arith.subi %add3A_95, %sub3A_96 : i32
    %dma_wait3A = arith.constant 0 : i32
    %dma_wait3A_98 = tpu.memref_slice %arg12[%dma_wait3A] : memref<4128xf32, #tpu.memory_space<vmem>> -> memref<4096xf32, #tpu.memory_space<vmem>>
    %dma_wait3A_99 = arith.constant 0 : i32
    %dma_wait3A_100 = tpu.memref_slice %arg4[%sub3A_97, %dma_wait3A_99] : memref<1664x4096xf32, #tpu.memory_space<hbm>> -> memref<1x4096xf32, #tpu.memory_space<hbm>>
    %dma_wait3A_101 = tpu.memref_squeeze %dma_wait3A_100 : memref<1x4096xf32, #tpu.memory_space<hbm>> -> memref<4096xf32, #tpu.memory_space<hbm>>
    %dma_wait3A_102 = arith.constant 0 : i32
    %dma_wait3A_103 = tpu.memref_slice %arg4[%sub3A_97, %dma_wait3A_102] : memref<1664x4096xf32, #tpu.memory_space<hbm>> -> memref<1x4096xf32, #tpu.memory_space<hbm>>
    %dma_wait3A_104 = tpu.memref_squeeze %dma_wait3A_103 : memref<1x4096xf32, #tpu.memory_space<hbm>> -> memref<4096xf32, #tpu.memory_space<hbm>>
    %dma_wait3A_105 = arith.constant 0 : i32
    %dma_wait3A_106 = tpu.memref_slice %arg12[%dma_wait3A_105] : memref<4128xf32, #tpu.memory_space<vmem>> -> memref<4096xf32, #tpu.memory_space<vmem>>
    tpu.wait_dma2 semaphore(%arg15 : memref<!tpu.dma_semaphore, #tpu.memory_space<semaphore_mem>>) src(%dma_wait3A_106 : memref<4096xf32, #tpu.memory_space<vmem>>) dst(%dma_wait3A_104 : memref<4096xf32, #tpu.memory_space<hbm>>)
    return
  }
}

</mosaic_0001>

<sc_bundles>
// kernel: kernel.3.cloned.1.call-start
scs
__scs_entry_jumppad:
0x0: {  	(pc) =	sbr.rel $0x88, $3  }
0x1: {  	(tag) =	ssettag $0x0;
	lr =	simm.s32 $0x1  }
0x2: {  	[smem:$0x3F9F] =	sst lr;
	_ =	strace $0xD0000000  }
0x3: {  	_ = 	snop  }
0x4: {  	_ = 	snop  }
0x5: {  	_ = 	snop  }
0x6: {  	_ = 	snop  }
0x7: {  	_ = 	snop  }
__scs_overlays_trampoline_lowered:
0x8: {  	[smem:$0x3FAE] =	sst s0  }
0x9: {  	[smem:$0x3FAF] =	sst s1  }
0xa: {  	[smem:$0x3FB0] =	sst s2  }
0xb: {  	[smem:$0x3FB1] =	sst s3  }
0xc: {  	[smem:$0x3FB2] =	sst s4  }
0xd: {  	[smem:$0x3FB3] =	sst s5  }
0xe: {  	[smem:$0x3FB4] =	sst s6  }
0xf: {  	[smem:$0x3FB5] =	sst s7  }
0x10: {  	[smem:$0x3FB6] =	sst s8  }
0x11: {  	[smem:$0x3FB7] =	sst s9;
	s0 =	simm.s32 @!p0 $0x0  }
0x12: {  	s1 =	sld [smem:$0x3F9D];
	s0 =	simm.s32 @p0 $0x1  }
0x13: {  	[smem:$0x3FB8] =	sst s0;
	s0 =	simm.s32 @!p1 $0x0  }
0x14: {  	s2 =	sld [smem:$0x3F9C];
	s0 =	simm.s32 @p1 $0x1  }
0x15: {  	[smem:$0x3FB9] =	sst s0;
	s0 =	simm.s32 @!p2 $0x0  }
0x16: {  	s3 =	sld [smem:$0x3FDB];
	s0 =	simm.s32 @p2 $0x1  }
0x17: {  	s4 =	simm.s32 $0x1BF5;
	[smem:$0x3FBB] =	sst s0  }
0x18: {  	s0 =	sld [smem:$0x3F9E];
	_ =	swait.ge [sflag:s4], $0x0  }
0x19: {  	s7 =	sld [smem:$0x3F9F]  }
0x1a: {  	s8 =	sadd.s32 $0xFFFFE003, lr  }
0x1b: {  	s9 =	sadd.s32 $0xFFFFFEF7, lr;
	s5 =	simm.s32 $0xFFFFFFFF;
	p2 =	slt.u32 s8, $0xFFFFF086  }
0x1c: {  	p1 =	slt.u32 s9, $0xF7A;
	s5 =	simm.s32 @!p2 $0x0  }
0x1d: {  	s5 =	simm.s32 @p1 $0x1;
	p0 =	seq.s32 s7, s2  }
0x1e: {  	s7 =	smul.u32 @!p0 $0xF7A, s2;
	p2 =	seq.s32 @!p0 s5, $0x0  }
0x1f: {  	s9 =	smul.u32 $0xF7A, s1;
	s8 =	simm.s32 @!p0 $0x1BF5;
	p2 =	por !p2, p0  }
0x20: {  	[sflag:s8] =	ssyncset.s32 @!p0 $0xFFFFF086;
	s6 =	sadd.s32 @!p0 s3, s7;
	s7 =	simm.s32 @!p0 $0x108  }
0x21: {  	s3 =	sadd.s32 s3, s9;
	s6 =	sadd.s32 @!p0 $0x88, s6;
	s7 =	simm.s32 @p2 $0x1082  }
0x22: {  	[simem:s7], [sflag:s8] =	dma.local @!p0 [hbm:s6], $0xF7A  }
0x23: {  	s9 =	sor.u32 $0xD0000000, s2;
	s6 =	simm.s32 $0x108;
	_ =	swait.ge @!p0 [sflag:s8], $0x0  }
0x24: {  	s3 =	sadd.s32 $0x88, s3;
	s6 =	simm.s32 @!p1 $0x1082;
	[sflag:s4] =	ssyncset.s32 $0xFFFFF086  }
0x25: {  	[simem:s6], [sflag:s4] =	dma.local [hbm:s3], $0xF7A  }
0x26: {  	[smem:$0x3F9F] =	sst s1;
	(tag) =	ssettag s2;
	_ =	strace s9  }
0x27: {  	s1 =	sld [smem:$0x3FAF]  }
0x28: {  	s2 =	sld [smem:$0x3FB0]  }
0x29: {  	s4 =	sld [smem:$0x3FB2]  }
0x2a: {  	p0 =	seq.s32 s5, $0x0;
	s5 =	sld [smem:$0x3FB3]  }
0x2b: {  	s6 =	sld [smem:$0x3FB4]  }
0x2c: {  	s7 =	sld [smem:$0x3FB5]  }
0x2d: {  	s3 =	simm.s32 $0x108;
	s8 =	sld [smem:$0x3FB6]  }
0x2e: {  	s3 =	simm.s32 @!p0 $0x1082;
	s9 =	sld [smem:$0x3FB7]  }
0x2f: {  	lr =	sadd.s32 s0, s3;
	s0 =	sld [smem:$0x3FAE]  }
0x30: {  	s3 =	sld [smem:$0x3FB1]  }
0x31: {  	[smem:$0x3FBA] =	sst s10  }
0x32: {  	s10 =	sld [smem:$0x3FB8];
	_ =	sdelay $0x3  }
0x33: {  	p0 =	seq.s32 s10, $0x1;
	s10 =	sld [smem:$0x3FBA];
	_ =	sdelay $0x3  }
0x34: {  	[smem:$0x3FBA] =	sst s10  }
0x35: {  	s10 =	sld [smem:$0x3FB9];
	_ =	sdelay $0x3  }
0x36: {  	p1 =	seq.s32 s10, $0x1;
	s10 =	sld [smem:$0x3FBA];
	_ =	sdelay $0x3  }
0x37: {  	[smem:$0x3FBA] =	sst s10  }
0x38: {  	s10 =	sld [smem:$0x3FBB]  }
0x39: {  	_ = 	snop;
	(pc) =	sbr.ind lr, $3  }
0x3a: {  	_ = 	snop  }
0x3b: {  	_ = 	snop  }
0x3c: {  	p2 =	seq.s32 s10, $0x1;
	s10 =	sld [smem:$0x3FBA]  }
0x3d: {  	_ =	shalt  }
0x3e: {  	_ =	shalt  }
0x3f: {  	_ =	shalt  }
0x40: {  	_ =	shalt  }
0x41: {  	_ =	shalt  }
0x42: {  	_ =	shalt  }
0x43: {  	_ =	shalt  }
0x44: {  	_ =	shalt  }
0x45: {  	_ =	shalt  }
0x46: {  	_ =	shalt  }
0x47: {  	_ =	shalt  }
0x48: {  	_ =	shalt  }
0x49: {  	_ =	shalt  }
0x4a: {  	_ =	shalt  }
0x4b: {  	_ =	shalt  }
0x4c: {  	_ =	shalt  }
0x4d: {  	_ =	shalt  }
0x4e: {  	_ =	shalt  }
0x4f: {  	_ =	shalt  }
0x50: {  	_ =	shalt  }
0x51: {  	_ =	shalt  }
0x52: {  	_ =	shalt  }
0x53: {  	_ =	shalt  }
0x54: {  	_ =	shalt  }
0x55: {  	_ =	shalt  }
0x56: {  	_ =	shalt  }
0x57: {  	_ =	shalt  }
0x58: {  	_ =	shalt  }
0x59: {  	_ =	shalt  }
0x5a: {  	_ =	shalt  }
0x5b: {  	_ =	shalt  }
0x5c: {  	_ =	shalt  }
0x5d: {  	_ =	shalt  }
0x5e: {  	_ =	shalt  }
0x5f: {  	_ =	shalt  }
0x60: {  	_ =	shalt  }
0x61: {  	_ =	shalt  }
0x62: {  	_ =	shalt  }
0x63: {  	_ =	shalt  }
0x64: {  	_ =	shalt  }
0x65: {  	_ =	shalt  }
0x66: {  	_ =	shalt  }
0x67: {  	_ =	shalt  }
0x68: {  	_ =	shalt  }
0x69: {  	_ =	shalt  }
0x6a: {  	_ =	shalt  }
0x6b: {  	_ =	shalt  }
0x6c: {  	_ =	shalt  }
0x6d: {  	_ =	shalt  }
0x6e: {  	_ =	shalt  }
0x6f: {  	_ =	shalt  }
0x70: {  	_ =	shalt  }
0x71: {  	_ =	shalt  }
0x72: {  	_ =	shalt  }
0x73: {  	_ =	shalt  }
0x74: {  	_ =	shalt  }
0x75: {  	_ =	shalt  }
0x76: {  	_ =	shalt  }
0x77: {  	_ =	shalt  }
0x78: {  	_ =	shalt  }
0x79: {  	_ =	shalt  }
0x7a: {  	_ =	shalt  }
0x7b: {  	_ =	shalt  }
0x7c: {  	_ =	shalt  }
0x7d: {  	_ =	shalt  }
0x7e: {  	_ =	shalt  }
0x7f: {  	_ =	shalt  }
0x80: {  	_ =	shalt  }
0x81: {  	_ =	shalt  }
0x82: {  	_ =	shalt  }
0x83: {  	_ =	shalt  }
0x84: {  	_ =	shalt  }
0x85: {  	_ =	shalt  }
0x86: {  	_ =	shalt  }
0x87: {  	_ =	shalt  }
.Lfunc_end0:
.L_simem_size_0:
called_computation_lowered:
.L_overlay_start_0:
0x88: {  	s2 =	sld [smem:$0x3FD9]  }
0x89: {  	s3 =	sld [smem:$0x3FFE];
	_ =	sdelay $0x1  }
0x8a: {  	s1 =	srdreg.scid  }
0x8b: {  	s0 =	sand.u32 $0x1, s1  }
0x8c: {  	s17 =	sshll.u32 s0, $0xA;
	s2 =	sadd.s32 s3, s2  }
0x8d: {  	s2 =	sadd.s32 s2, s17  }
0x8e: {  	[smem:$0x3FC6] =	sst s2  }
0x8f: {  	_ = 	snop  }
0x90: {  	s2 =	sld [smem:$0x3FC9]  }
0x91: {  	s18 =	sld [smem:$0x3FC8];
	(tm) =	ssettm $0x1  }
0x92: {  	s4 =	sld [smem:$0x3FFB];
	_ =	sdelay $0x3  }
0x93: {  	_ =	strace s4  }
0x94: {  	s4 =	sld [smem:$0x3FFC];
	_ =	sdelay $0x3  }
0x95: {  	_ =	strace s4  }
0x96: {  	s4 =	sld [smem:$0x3FFD];
	_ =	sdelay $0x3  }
0x97: {  	_ =	strace s4  }
0x98: {  	_ =	strace $0x8FFFFFFF  }
0x99: {  	s19 =	sld [smem:$0x3FDB];
	_ =	sdelay $0x1  }
0x9a: {  	s5 =	simm.s32 $_scs_section_size  }
0x9b: {  	s6 =	simm.s32 $_size__tile_overlayer_lowered;
	s7 =	simm.s32 $_tile_overlayer_lowered  }
0x9c: {  	s22 =	simm.s32 $0x1BFF;
	s21 =	sshll.u32 s7, $0x1;
	s4 =	sadd.s32 s5, s19  }
0x9d: {  	s8 =	simm.s32 $0x0;
	s20 =	sshll.u32 s6, $0x1;
	s6 =	sadd.s32 s21, s4  }
0x9e: {  	[timem:s8], [sflag:s22] =	dma.local [hbm:s6], s20  }
0x9f: {  	_ =	swait.ge [sflag:s22], s20  }
0xa0: {  	s5 =	ssub.s32 $0x0, s20;
	[sflag:s22] =	ssyncset.done $0x0  }
0xa1: {  	[sflag:s22] =	ssyncadd.s32 s5;
	_ =	sdelay $0x1  }
0xa2: {  	s23 =	simm.s32 $0x1B8B  }
0xa3: {  	_ =	swait.ge [sflag:s23], $0x1  }
0xa4: {  	[sflag:s23] =	ssyncset.done $0x0  }
0xa5: {  	s25 =	simm.s32 $0x1B8E;
	s24 =	sld [smem:$0x3FFE];
	[sflag:s23] =	ssyncadd.s32 $0xFFFFFFFF  }
0xa6: {  	s26 =	simm.s32 $execute0_lowered;
	[smem:$0x3FD2] =	sst s25  }
0xa7: {  	s6 =	sshll.u32 s26, $0x1;
	_ =	strace $0x80000046;
	[dreg:$0x1] =	wrdreg $0xFFFFFFFF  }
0xa8: {  	s28 =	simm.s32 $_size_execute0_lowered;
	s4 =	sadd.s32 s4, s6;
	[dreg:$0x0] =	wrdreg $0x0  }
0xa9: {  	s6 =	sshll.u32 s28, $0x1;
	[dreg:$0x2] =	wrdreg s4  }
0xaa: {  	[dreg:$0x3] =	wrdreg s6  }
0xab: {  	[dreg:$0x4] =	wrdreg $0xC0  }
0xac: {  	_ =	task [dreg:s8], $0x5FFFF  }
0xad: {  	[dreg:$0x1] =	wrdreg $0xFFFFFFFF  }
0xae: {  	[dreg:$0x0] =	wrdreg $0x60  }
0xaf: {  	[dreg:$0x2] =	wrdreg s2  }
0xb0: {  	[dreg:$0x3] =	wrdreg s18  }
0xb1: {  	[dreg:$0x4] =	wrdreg s24  }
0xb2: {  	[dreg:$0x5] =	wrdreg $0x9  }
0xb3: {  	_ =	task.clear_ibuf [dreg:s8], $0x6FFFF;
	_ =	strace $0x90000046  }
0xb4: {  	s29 =	simm.s32 $0x9;
	_ =	strace $0x80000048  }
0xb5: {  	_ =	swait.ge [sflag:s29], $0x1  }
0xb6: {  	[sflag:s29] =	ssyncadd.s32 $0xFFFFFFFF  }
0xb7: {  	_ =	strace $0x90000048  }
0xb8: {  	_ =	sfence  }
0xb9: {  	s30 =	sld [smem:$0x0];
	_ =	sdelay $0x2  }
0xba: {  	s31 =	sshll.u32 s1, $0xD;
	s1 =	sshrl.u32 s1, $0x2  }
0xbb: {  	s3 =	sand.u32 $0x4000, s31;
	s1 =	sadd.s32 s1, s30  }
0xbc: {  	s0 =	sor.u32 s3, s0;
	s1 =	sshll.u32 s1, $0x11  }
0xbd: {  	s0 =	sor.u32 s1, s0  }
0xbe: {  	s0 =	sadd.s32 $0x8F2B, s0  }
0xbf: {  	[sflag:s0] =	ssyncadd.remote.s32 $0x1  }
0xc0: {  	_ =	sfence.sel $0xFFFF  }
0xc1: {  	[dreg:$0x0] =	wrdreg $0xFFFFFFFF;
	(pc) =	sbr.abs _section_cstart, $3  }
0xc2: {  	[dreg:$0x1] =	wrdreg $0xFFFFFFFF  }
0xc3: {  	_ =	task.clear_ibuf [dreg:s8], $0x2FFFF;
	_ =	strace $0x9FFFFFFF  }
0xc4: {  	(tm) =	ssettm $0x7FFFFFFF  }
0xc5: {  	_ =	shalt  }
tec
execute0_lowered:
.L_overlay_start_1:
0x0: {  	(tag) =	ssettag $0x1  }
0x1: {  	s11 =	rddreg [dreg:$0x0]  }
0x2: {  	s2 =	rddreg [dreg:$0x1];
	s1 =	srdreg.scid  }
0x3: {  	s0 =	stileid.u32;
	s5 =	rddreg [dreg:$0x2]  }
0x4: {  	s3 =	simm.s32 $0x0;
	s17 =	simm.s32 $0x4;
	s18 =	simm.s32 $0xC380  }
0x5: {  	s19 =	simm.s32 $0x1;
	s7 =	sand.u32 $0x1, s1;
	s4 =	sshll.u32 s0, $0x1  }
0x6: {  	[smem:$0x7FF] =	sst s3;
	s4 =	sor.u32 s7, s4;
	s6 =	ssub.s32 $0x2, s7  }
0x7: {  	s5 =	sadd.s32 $0x400, s5;
	s4 =	smul.u32 $0x34, s4;
	s8 =	sshrl.u32 s6, $0x1  }
0x8: {  	_ =	strace $0x80000047;
	s13 =	sshll.u32 s7, $0x9;
	s14 =	ssub.s32 s6, s8  }
0x9: {  	s9 =	sshrl.u32 s4, $0x6;
	s6 =	sadd.s32 $0x34, s4;
	s20 =	sshrl.u32 s4, $0x2  }
0xa: {  	s21 =	sshrl.u32 s4, $0x3;
	s10 =	sshll.u32 s4, $0x3;
	s14 =	smax.u32 s14, $0x1  }
0xb: {  	s12 =	sadd.s32 $0x1, s9;
	s8 =	sand.u32 $0x70, s20;
	s9 =	smul.u32 $0xC3800, s21  }
0xc: {  	s10 =	sand.u32 $0x3000, s10;
	s20 =	simm.s32 $0x1D900;
	s21 =	simm.s32 $0x2  }
0xd: {  	s22 =	sshll.u32 s12, $0x6;
	s8 =	sadd.s32 s11, s8;
	s26 =	sshll.u32 s12, $0x9  }
0xe: {  	s12 =	sshll.u32 s12, $0x4;
	s7 =	smin.u32 s6, s22;
	s8 =	sadd.s32 s10, s8  }
0xf: {  	s9 =	sor.u32 s13, s9;
	s28 =	sand.u32 $0xFFFF000, s26;
	s12 =	sand.u32 $0x70, s12  }
0x10: {  	p0 =	sle.u32 s22, s4;
	p1 =	sge.u32 s22, s6;
	s22 =	simm.s32 $0x3  }
0x11: {  	s23 =	sshrl.u32 s9, $0x3;
	s9 =	sadd.s32 $0x61C00, s9;
	s24 =	sshrl.u32 s7, $0x3  }
0x12: {  	s16 =	sshll.u32 s7, $0x7;
	s11 =	sadd.s32 s11, s12;
	s13 =	smul.u32 $0xC3800, s24  }
.Ltmp0:
0x13: {  	s15 =	sshrl.u32 s9, $0x3;
	s25 =	sand.u32 $0x200, s16;
	(pc) =	sbr.rel .LBB2_1-.Ltmp0, $4  }
0x14: {  	s9 =	sadd.s32 s2, s23;
	s11 =	sadd.s32 s28, s11;
	s13 =	sor.u32 s25, s13  }
0x15: {  	s16 =	simm.s32 $0x400;
	s23 =	simm.s32 $0x0;
	s29 =	sadd.s32 $0x61C00, s13  }
0x16: {  	v0 =	vlaneseq.u32;
	s10 =	sadd.s32 s2, s15;
	s30 =	sshrl.u32 s13, $0x3;
	s31 =	sshrl.u32 s29, $0x3  }
0x17: {  	v1 =	vimm.s32 $0x0;
	v2 =	vor.u32 $0x1000, v0;
	v3 =	vor.u32 $0x1010, v0;
	s15 =	simm.s32 $0x80;
	s12 =	sadd.s32 s2, s30;
	s13 =	sadd.s32 s2, s31  }
.LBB2_26:
0x18: {  	s1 =	sshll.u32 s26, $0xC  }
0x19: {  	s1 =	sand.u32 $0x7FFF8000, s1  }
0x1a: {  	s1 =	sor.u32 s29, s1  }
0x1b: {  	s1 =	sshrl.u32 s1, $0x3  }
0x1c: {  	s1 =	sadd.s32 s5, s1  }
0x1d: {  	[hbm4b:s1+s15] =	stream.strided.scatter [tilespmem:s20], [sflag:$0x3], $0x1000, s16, s15, $0x38;
	[tilespmem:$0x1E980] =	vst v63  }
.LBB2_27:
0x1e: {  	s23 =	sadd.s32 $0x1, s23  }
0x1f: {  	p2 =	sne.s32 s23, s14  }
.Ltmp1:
0x20: {  	_ = 	snop;
	(pc) =	sbr.rel @!p2 .LBB2_28-.Ltmp1, $4  }
0x21: {  	_ = 	snop  }
0x22: {  	_ =	swait.ge [sflag:s22], $0x1000  }
0x23: {  	[sflag:s22] =	ssyncset.done $0x0  }
0x24: {  	[sflag:s22] =	ssyncadd.s32 $0xFFFFF000  }
.LBB2_1:
0x25: {  	s24 =	simm.s32 $0x18700  }
0x26: {  	[tilespmem:s24], [sflag:$0x4] =	stream.strided.gather [hbm4b:s8+s15], $0x1000, s16, s15, $0x38;
	[tilespmem:$0x1E980] =	vst v63  }
0x27: {  	_ =	swait.ge [sflag:s17], $0x1000  }
0x28: {  	[sflag:s17] =	ssyncset.done $0x0  }
0x29: {  	[sflag:s17] =	ssyncadd.s32 $0xFFFFF000  }
0x2a: {  	v4 =	vld [tilespmem:s24+$0x0];
	_ =	sdelay $0x4  }
0x2b: {  	vm0 =	vlt.s32 v4, $0xC380  }
0x2c: {  	v5 =	vsel vm0, $0x1, v1  }
0x2d: {  	(xrf0) =	vadd.scan.msk.s32 $0xffff, v5;
	_ =	sdelay $0x5  }
0x2e: {  	v5, _, _ =	vpop (xrf0)  }
0x2f: {  	(v2sf) =	vpush v5, $0xF  }
0x30: {  	[tilespmem:s3+$0x19700] =	vst.msk vm0, v4;
	v5 =	vor.u32 s3, v0  }
0x31: {  	vm1 =	vge.s32 v4, $0xC380;
	v4 =	vadd.s32 $0xFFFF3C80, v4;
	[tilespmem:s3+$0x1A780] =	vst.msk vm0, v5  }
0x32: {  	[tilespmem:s3+$0x1B800] =	vst.msk vm1, v4  }
0x33: {  	s25 =	simm.s32 $0x18710;
	[tilespmem:s3+$0x1C880] =	vst.msk vm1, v5  }
0x34: {  	v4 =	vld [tilespmem:s25+$0x0];
	_ =	sdelay $0x4  }
0x35: {  	vm0 =	vlt.s32 v4, $0xC380  }
0x36: {  	v5 =	vsel vm0, $0x1, v1  }
0x37: {  	(xrf0) =	vadd.scan.msk.s32 $0xffff, v5;
	_ =	sdelay $0x2  }
0x38: {  	s26 =	simm.s32 $0x10;
	s29 =	spop (v2sf)  }
0x39: {  	s28 =	simm.s32 $0x20;
	s24 =	sadd.s32 $0x0, s29;
	s29 =	ssub.s32 $0x0, s29  }
.LBB2_2:
0x3a: {  	p2 =	sne.s32 s28, $0xFF0  }
0x3b: {  	v5, _, _ =	vpop (xrf0);
	s29 =	sadd.s32 $0x10, s29;
	s30 =	smov.u32 s28;
	s28 =	sadd.s32 $0x10, s28  }
0x3c: {  	v6 =	vor.u32 s26, v0;
	[tilespmem:s24+$0x19700] =	vst.msk vm0, v4;
	(v2sf) =	vpush v5, $0xF;
	s26 =	smov.u32 s30  }
0x3d: {  	vm1 =	vge.s32 v4, $0xC380;
	v4 =	vadd.s32 $0xFFFF3C80, v4;
	[tilespmem:s24+$0x1A780] =	vst.msk vm0, v6  }
0x3e: {  	[tilespmem:s29+$0x1B800] =	vst.msk vm1, v4  }
0x3f: {  	s25 =	sadd.s32 $0x10, s25;
	[tilespmem:s29+$0x1C880] =	vst.msk vm1, v6  }
0x40: {  	v4 =	vld [tilespmem:s25+$0x0];
	_ =	sdelay $0x4  }
0x41: {  	vm0 =	vlt.s32 v4, $0xC380  }
0x42: {  	v5 =	vsel vm0, $0x1, v1  }
0x43: {  	(xrf0) =	vadd.scan.msk.s32 $0xffff, v5  }
.Ltmp2:
0x44: {  	(pc) =	sbr.rel @p2 .LBB2_2-.Ltmp2, $3  }
0x45: {  	_ =	sdelay $0x1  }
0x46: {  	s30 =	spop (v2sf)  }
0x47: {  	s24 =	sadd.s32 s24, s30;
	s29 =	ssub.s32 s29, s30  }
0x48: {  	v5, _, _ =	vpop (xrf0)  }
0x49: {  	(v2sf) =	vpush v5, $0xF;
	_ =	sdelay $0xc  }
0x4a: {  	[tilespmem:s24+$0x19700] =	vst.msk vm0, v4;
	v5 =	vor.u32 s26, v0  }
0x4b: {  	s30 =	sadd.s32 $0x10, s29;
	vm1 =	vge.s32 v4, $0xC380;
	v4 =	vadd.s32 $0xFFFF3C80, v4;
	[tilespmem:s24+$0x1A780] =	vst.msk vm0, v5  }
0x4c: {  	[tilespmem:s30+$0x1B800] =	vst.msk vm1, v4;
	s28 =	spop (v2sf)  }
0x4d: {  	[tilespmem:s30+$0x1C880] =	vst.msk vm1, v5;
	s25 =	sadd.s32 s24, s28  }
0x4e: {  	s31 =	ssub.s32 s30, s28;
	[tilespmem:s25+$0x19700] =	vst v1  }
0x4f: {  	s24 =	sadd.s32 $0x10, s31;
	[tilespmem:s25+$0x1A780] =	vst v2  }
0x50: {  	[tilespmem:s24+$0x1B800] =	vst v1  }
0x51: {  	[tilespmem:s24+$0x1C880] =	vst v2  }
0x52: {  	[tilespmem:s25+$0x19710] =	vst v1  }
0x53: {  	[tilespmem:s25+$0x1A790] =	vst v3  }
.Ltmp3:
0x54: {  	[tilespmem:s24+$0x1B810] =	vst v1;
	(pc) =	sbr.rel @p0 .LBB2_14-.Ltmp3, $4  }
0x55: {  	[tilespmem:s24+$0x1C890] =	vst v3  }
0x56: {  	[tilespmem:s3], [sflag:$0x1] =	stream.strided.gather [hbm4b:s9+s15], $0xC380, s16, s15, $0x38;
	[tilespmem:$0x1E980] =	vst v63  }
0x57: {  	_ = 	snop  }
0x58: {  	[tilespmem:s18], [sflag:$0x2] =	stream.strided.gather [hbm4b:s10+s15], $0xC380, s16, s15, $0x38;
	[tilespmem:$0x1E980] =	vst v63  }
0x59: {  	s25 =	sadd.s32 $0x1F, s25  }
0x5a: {  	s24 =	sadd.s32 $0x1F, s24;
	s26 =	sshra.s32 s25, $0x1F  }
0x5b: {  	s28 =	sand.u32 $0x1F, s25;
	p2 =	slt.s32 s25, $0x1;
	s29 =	sand.u32 $0x1F, s24  }
0x5c: {  	p6 =	slt.s32 s24, $0x1;
	s31 =	sshra.s32 s24, $0x1F;
	s26 =	sshrl.u32 s26, $0x1B  }
0x5d: {  	p3 =	sne.s32 s28, $0x0;
	p4 =	sne.s32 s29, $0x0;
	s28 =	simm.s32 $0x1  }
0x5e: {  	s26 =	sadd.s32 s26, s25;
	p2 =	por !p2, !p3;
	p3 =	por !p6, !p4  }
0x5f: {  	s30 =	sshra.s32 s26, $0x5;
	p2 =	por !p2, !p2;
	s26 =	sshrl.u32 s31, $0x1B  }
0x60: {  	p3 =	por !p3, !p3;
	s24 =	sadd.s32 s26, s24;
	s26 =	simm.s32 $0x1  }
0x61: {  	s28 =	simm.s32 @!p2 $0x0;
	s29 =	sshra.s32 s24, $0x5;
	s26 =	simm.s32 @!p3 $0x0  }
0x62: {  	s24 =	ssub.s32 s30, s28;
	s25 =	ssub.s32 s29, s26  }
0x63: {  	p2 =	slt.s32 s24, $0x1;
	s26 =	smov.u32 s4;
	p3 =	slt.s32 s25, $0x1  }
.LBB2_5:
0x64: {  	_ =	swait.ge [sflag:s19], $0xC380  }
.Ltmp4:
0x65: {  	p4 =	sle.u32 s26, s4;
	[sflag:s19] =	ssyncset.done $0x0;
	(pc) =	sbr.rel @p2 .LBB2_8-.Ltmp4, $4  }
0x66: {  	s28 =	simm.s32 @!p4 $0x3;
	[sflag:s19] =	ssyncadd.s32 $0xFFFF3C80  }
0x67: {  	_ =	swait.ge @!p4 [sflag:s28], $0x1000  }
0x68: {  	[sflag:s28] =	ssyncset.done @!p4 $0x0  }
0x69: {  	[sflag:s28] =	ssyncadd.s32 @!p4 $0xFFFFF000  }
0x6a: {  	s28 =	simm.s32 $0x1A790;
	s29 =	simm.s32 $0x19710;
	s30 =	smov.u32 s24  }
.LBB2_7:
0x6b: {  	v4 =	vld [tilespmem:s29+$0xFFFFFFF0];
	_ =	sdelay $0x4  }
0x6c: {  	v5 =	vld [tilespmem:s28+$0xFFFFFFF0];
	_ =	sdelay $0x2  }
0x6d: {  	v4 =	vld.idx.msk [tilespmem:v4+s3+$0x0], $0xffff;
	_ =	sdelay $0x4  }
0x6e: {  	[tilespmem:v5+s20+$0x0] =	vst.idx.msk $0xffff, v4  }
0x6f: {  	v4 =	vld [tilespmem:s29+$0x0];
	_ =	sdelay $0x4  }
0x70: {  	v5 =	vld [tilespmem:s28+$0x0];
	_ =	sdelay $0x2  }
0x71: {  	p4 =	sne.s32 s30, $0x1;
	v4 =	vld.idx.msk [tilespmem:v4+s3+$0x0], $0xffff  }
.Ltmp5:
0x72: {  	_ = 	snop;
	(pc) =	sbr.rel @p4 .LBB2_7-.Ltmp5, $2  }
0x73: {  	_ =	sdelay $0x2  }
0x74: {  	s30 =	sadd.s32 $0xFFFFFFFF, s30;
	s28 =	sadd.s32 $0x20, s28;
	s29 =	sadd.s32 $0x20, s29;
	[tilespmem:v5+s20+$0x0] =	vst.idx.msk $0xffff, v4  }
.LBB2_8:
0x75: {  	s28 =	sadd.s32 $0x1, s26  }
0x76: {  	p4 =	sge.u32 s28, s7  }
0x77: {  	s29 =	sshrl.u32 @!p4 s28, $0x3  }
0x78: {  	s30 =	sshll.u32 @!p4 s28, $0x7;
	s29 =	smul.u32 @!p4 $0xC3800, s29  }
0x79: {  	s30 =	sand.u32 @!p4 $0x380, s30  }
0x7a: {  	s29 =	sor.u32 @!p4 s30, s29  }
0x7b: {  	s31 =	simm.s32 @!p4 $0x400;
	s1 =	simm.s32 @!p4 $0x0;
	s29 =	sshrl.u32 @!p4 s29, $0x3  }
.Ltmp6:
0x7c: {  	s30 =	simm.s32 @!p4 $0x80;
	s29 =	sadd.s32 @!p4 s2, s29;
	(pc) =	sbr.rel @p3 .LBB2_11-.Ltmp6, $4  }
0x7d: {  	[tilespmem:s1], [sflag:$0x1] =	stream.strided.gather @!p4 [hbm4b:s29+s30], $0xC380, s31, s30, $0x38;
	[tilespmem:$0x1E980] =	vst v63  }
0x7e: {  	_ =	swait.ge [sflag:s21], $0xC380  }
0x7f: {  	[sflag:s21] =	ssyncset.done $0x0  }
0x80: {  	[sflag:s21] =	ssyncadd.s32 $0xFFFF3C80  }
0x81: {  	s29 =	simm.s32 $0x1C890;
	s30 =	simm.s32 $0x1B810;
	s31 =	smov.u32 s25  }
.LBB2_10:
0x82: {  	v4 =	vld [tilespmem:s30+$0xFFFFFFF0];
	_ =	sdelay $0x4  }
0x83: {  	v5 =	vld [tilespmem:s29+$0xFFFFFFF0];
	_ =	sdelay $0x2  }
0x84: {  	v4 =	vld.idx.msk [tilespmem:v4+s18+$0x0], $0xffff;
	_ =	sdelay $0x4  }
0x85: {  	[tilespmem:v5+s20+$0x0] =	vst.idx.msk $0xffff, v4  }
0x86: {  	v4 =	vld [tilespmem:s30+$0x0];
	_ =	sdelay $0x4  }
0x87: {  	v5 =	vld [tilespmem:s29+$0x0];
	_ =	sdelay $0x2  }
0x88: {  	p5 =	sne.s32 s31, $0x1;
	v4 =	vld.idx.msk [tilespmem:v4+s18+$0x0], $0xffff  }
.Ltmp7:
0x89: {  	_ = 	snop;
	(pc) =	sbr.rel @p5 .LBB2_10-.Ltmp7, $2  }
0x8a: {  	_ =	sdelay $0x2  }
0x8b: {  	s31 =	sadd.s32 $0xFFFFFFFF, s31;
	s29 =	sadd.s32 $0x20, s29;
	s30 =	sadd.s32 $0x20, s30;
	[tilespmem:v5+s20+$0x0] =	vst.idx.msk $0xffff, v4  }
.LBB2_11:
.Ltmp8:
0x8c: {  	(pc) =	sbr.rel @p4 .LBB2_13-.Ltmp8, $3  }
0x8d: {  	_ =	sdelay $0x1  }
0x8e: {  	s1 =	sshll.u32 s26, $0x7  }
0x8f: {  	s29 =	sand.u32 $0x380, s1  }
0x90: {  	s1 =	sshrl.u32 s28, $0x3  }
0x91: {  	s30 =	sshll.u32 s28, $0x7;
	s1 =	smul.u32 $0xC3800, s1  }
0x92: {  	s30 =	sand.u32 $0x380, s30  }
0x93: {  	s1 =	sor.u32 s30, s1  }
0x94: {  	s1 =	sadd.s32 $0x61C00, s1  }
0x95: {  	s1 =	sshrl.u32 s1, $0x3  }
0x96: {  	s31 =	sshll.u32 s26, $0xC;
	s1 =	sadd.s32 s2, s1  }
0x97: {  	[tilespmem:s18], [sflag:$0x2] =	stream.strided.gather [hbm4b:s1+s15], $0xC380, s16, s15, $0x38;
	[tilespmem:$0x1E980] =	vst v63  }
.Ltmp9:
0x98: {  	s1 =	sand.u32 $0xFFFF8000, s31;
	(pc) =	sbr.rel .LBB2_5-.Ltmp9, $4  }
0x99: {  	s1 =	sor.u32 s29, s1  }
0x9a: {  	s1 =	sshrl.u32 s1, $0x3  }
0x9b: {  	s26 =	smov.u32 s28;
	s1 =	sadd.s32 s5, s1  }
0x9c: {  	[hbm4b:s1+s15] =	stream.strided.scatter [tilespmem:s20], [sflag:$0x3], $0x1000, s16, s15, $0x38;
	[tilespmem:$0x1E980] =	vst v63  }
.LBB2_13:
0x9d: {  	s1 =	sshll.u32 s26, $0xC  }
0x9e: {  	s1 =	sand.u32 $0xFFFF8000, s1  }
0x9f: {  	s1 =	sor.u32 s29, s1  }
0xa0: {  	s1 =	sshrl.u32 s1, $0x3  }
0xa1: {  	s1 =	sadd.s32 s5, s1  }
0xa2: {  	[hbm4b:s1+s15] =	stream.strided.scatter [tilespmem:s20], [sflag:$0x3], $0x1000, s16, s15, $0x38;
	[tilespmem:$0x1E980] =	vst v63  }
.LBB2_14:
.Ltmp10:
0xa3: {  	(pc) =	sbr.rel @p1 .LBB2_27-.Ltmp10, $1  }
0xa4: {  	_ =	sdelay $0x3  }
0xa5: {  	s1 =	simm.s32 $0x18700  }
0xa6: {  	[tilespmem:s1], [sflag:$0x4] =	stream.strided.gather [hbm4b:s11+s15], $0x1000, s16, s15, $0x38;
	[tilespmem:$0x1E980] =	vst v63  }
0xa7: {  	_ =	swait.ge [sflag:s17], $0x1000  }
0xa8: {  	[sflag:s17] =	ssyncset.done $0x0  }
0xa9: {  	[sflag:s17] =	ssyncadd.s32 $0xFFFFF000  }
0xaa: {  	v4 =	vld [tilespmem:s1+$0x0];
	_ =	sdelay $0x4  }
0xab: {  	vm0 =	vlt.s32 v4, $0xC380  }
0xac: {  	v5 =	vsel vm0, $0x1, v1  }
0xad: {  	(xrf0) =	vadd.scan.msk.s32 $0xffff, v5;
	_ =	sdelay $0x5  }
0xae: {  	v5, _, _ =	vpop (xrf0)  }
0xaf: {  	s30 =	simm.s32 $0x0;
	(v2sf) =	vpush v5, $0xF  }
0xb0: {  	[tilespmem:s30+$0x19700] =	vst.msk vm0, v4;
	v5 =	vor.u32 s30, v0  }
0xb1: {  	vm1 =	vge.s32 v4, $0xC380;
	v4 =	vadd.s32 $0xFFFF3C80, v4;
	[tilespmem:s30+$0x1A780] =	vst.msk vm0, v5  }
0xb2: {  	[tilespmem:s30+$0x1B800] =	vst.msk vm1, v4  }
0xb3: {  	s25 =	simm.s32 $0x18710;
	[tilespmem:s30+$0x1C880] =	vst.msk vm1, v5  }
0xb4: {  	v4 =	vld [tilespmem:s25+$0x0];
	_ =	sdelay $0x4  }
0xb5: {  	vm0 =	vlt.s32 v4, $0xC380  }
0xb6: {  	v5 =	vsel vm0, $0x1, v1  }
0xb7: {  	(xrf0) =	vadd.scan.msk.s32 $0xffff, v5;
	_ =	sdelay $0x2  }
0xb8: {  	s26 =	simm.s32 $0x10;
	s31 =	spop (v2sf)  }
0xb9: {  	s28 =	simm.s32 $0x20;
	s24 =	sadd.s32 $0x0, s31;
	s29 =	ssub.s32 $0x0, s31  }
.LBB2_16:
0xba: {  	p2 =	sne.s32 s28, $0xFF0  }
0xbb: {  	v5, _, _ =	vpop (xrf0);
	s1 =	sadd.s32 $0x10, s29;
	s29 =	smov.u32 s28;
	s28 =	sadd.s32 $0x10, s28  }
0xbc: {  	v6 =	vor.u32 s26, v0;
	[tilespmem:s24+$0x19700] =	vst.msk vm0, v4;
	(v2sf) =	vpush v5, $0xF;
	s26 =	smov.u32 s29  }
0xbd: {  	vm1 =	vge.s32 v4, $0xC380;
	v4 =	vadd.s32 $0xFFFF3C80, v4;
	[tilespmem:s24+$0x1A780] =	vst.msk vm0, v6  }
0xbe: {  	[tilespmem:s1+$0x1B800] =	vst.msk vm1, v4  }
0xbf: {  	s25 =	sadd.s32 $0x10, s25;
	[tilespmem:s1+$0x1C880] =	vst.msk vm1, v6  }
0xc0: {  	v4 =	vld [tilespmem:s25+$0x0];
	_ =	sdelay $0x4  }
0xc1: {  	vm0 =	vlt.s32 v4, $0xC380  }
0xc2: {  	v5 =	vsel vm0, $0x1, v1  }
0xc3: {  	(xrf0) =	vadd.scan.msk.s32 $0xffff, v5  }
.Ltmp11:
0xc4: {  	(pc) =	sbr.rel @p2 .LBB2_16-.Ltmp11, $3  }
0xc5: {  	_ =	sdelay $0x1  }
0xc6: {  	s29 =	spop (v2sf)  }
0xc7: {  	s24 =	sadd.s32 s24, s29;
	s29 =	ssub.s32 s1, s29  }
0xc8: {  	v5, _, _ =	vpop (xrf0)  }
0xc9: {  	(v2sf) =	vpush v5, $0xF;
	_ =	sdelay $0xc  }
0xca: {  	[tilespmem:s24+$0x19700] =	vst.msk vm0, v4;
	v5 =	vor.u32 s26, v0  }
0xcb: {  	s1 =	sadd.s32 $0x10, s29;
	vm1 =	vge.s32 v4, $0xC380;
	v4 =	vadd.s32 $0xFFFF3C80, v4;
	[tilespmem:s24+$0x1A780] =	vst.msk vm0, v5  }
0xcc: {  	[tilespmem:s1+$0x1B800] =	vst.msk vm1, v4;
	s25 =	spop (v2sf)  }
0xcd: {  	[tilespmem:s1+$0x1C880] =	vst.msk vm1, v5;
	s31 =	sadd.s32 s24, s25  }
0xce: {  	s1 =	ssub.s32 s1, s25;
	[tilespmem:s31+$0x19700] =	vst v1  }
0xcf: {  	s1 =	sadd.s32 $0x10, s1;
	[tilespmem:s31+$0x1A780] =	vst v2  }
0xd0: {  	[tilespmem:s1+$0x1B800] =	vst v1  }
0xd1: {  	[tilespmem:s1+$0x1C880] =	vst v2  }
0xd2: {  	s24 =	sadd.s32 $0x1F, s31;
	[tilespmem:s31+$0x19710] =	vst v1  }
0xd3: {  	s26 =	sshra.s32 s24, $0x1F;
	s28 =	sand.u32 $0x1F, s24;
	[tilespmem:s31+$0x1A790] =	vst v3  }
0xd4: {  	p2 =	slt.s32 s24, $0x1;
	s25 =	sshrl.u32 s26, $0x1B;
	p3 =	sne.s32 s28, $0x0;
	[tilespmem:s1+$0x1B810] =	vst v1  }
0xd5: {  	s26 =	simm.s32 $0x1;
	[tilespmem:s1+$0x1C890] =	vst v3;
	s25 =	sadd.s32 s25, s24;
	s1 =	sadd.s32 $0x1F, s1  }
0xd6: {  	[tilespmem:s3], [sflag:$0x1] =	stream.strided.gather [hbm4b:s12+s15], $0xC380, s16, s15, $0x38;
	[tilespmem:$0x1E980] =	vst v63  }
0xd7: {  	p2 =	por !p2, !p3;
	s29 =	sand.u32 $0x1F, s1;
	p6 =	slt.s32 s1, $0x1  }
0xd8: {  	s30 =	sshra.s32 s25, $0x5;
	s31 =	sshra.s32 s1, $0x1F;
	p4 =	sne.s32 s29, $0x0  }
0xd9: {  	[tilespmem:s18], [sflag:$0x2] =	stream.strided.gather [hbm4b:s13+s15], $0xC380, s16, s15, $0x38;
	[tilespmem:$0x1E980] =	vst v63  }
0xda: {  	p2 =	por !p2, !p2;
	s25 =	sshrl.u32 s31, $0x1B;
	p3 =	por !p6, !p4  }
0xdb: {  	s1 =	sadd.s32 s25, s1;
	s25 =	simm.s32 $0x1;
	p3 =	por !p3, !p3  }
0xdc: {  	s26 =	simm.s32 @!p2 $0x0;
	s1 =	sshra.s32 s1, $0x5;
	s25 =	simm.s32 @!p3 $0x0  }
0xdd: {  	s24 =	ssub.s32 s30, s26;
	s25 =	ssub.s32 s1, s25  }
0xde: {  	s26 =	smov.u32 s7;
	p2 =	slt.s32 s24, $0x1;
	p3 =	slt.s32 s25, $0x1  }
.LBB2_18:
0xdf: {  	_ =	swait.ge [sflag:s19], $0xC380  }
.Ltmp12:
0xe0: {  	p4 =	sle.u32 s26, s4;
	[sflag:s19] =	ssyncset.done $0x0;
	(pc) =	sbr.rel @p2 .LBB2_21-.Ltmp12, $4  }
0xe1: {  	s1 =	simm.s32 @!p4 $0x3;
	[sflag:s19] =	ssyncadd.s32 $0xFFFF3C80  }
0xe2: {  	_ =	swait.ge @!p4 [sflag:s1], $0x1000  }
0xe3: {  	[sflag:s1] =	ssyncset.done @!p4 $0x0  }
0xe4: {  	[sflag:s1] =	ssyncadd.s32 @!p4 $0xFFFFF000  }
0xe5: {  	s28 =	simm.s32 $0x1A790;
	s29 =	simm.s32 $0x19710;
	s30 =	smov.u32 s24  }
.LBB2_20:
0xe6: {  	v4 =	vld [tilespmem:s29+$0xFFFFFFF0];
	_ =	sdelay $0x4  }
0xe7: {  	v5 =	vld [tilespmem:s28+$0xFFFFFFF0];
	_ =	sdelay $0x2  }
0xe8: {  	v4 =	vld.idx.msk [tilespmem:v4+s3+$0x0], $0xffff;
	_ =	sdelay $0x4  }
0xe9: {  	[tilespmem:v5+s20+$0x0] =	vst.idx.msk $0xffff, v4  }
0xea: {  	v4 =	vld [tilespmem:s29+$0x0];
	_ =	sdelay $0x4  }
0xeb: {  	v5 =	vld [tilespmem:s28+$0x0];
	_ =	sdelay $0x2  }
0xec: {  	p4 =	sne.s32 s30, $0x1;
	v4 =	vld.idx.msk [tilespmem:v4+s3+$0x0], $0xffff  }
.Ltmp13:
0xed: {  	_ = 	snop;
	(pc) =	sbr.rel @p4 .LBB2_20-.Ltmp13, $2  }
0xee: {  	_ =	sdelay $0x2  }
0xef: {  	s30 =	sadd.s32 $0xFFFFFFFF, s30;
	s28 =	sadd.s32 $0x20, s28;
	s29 =	sadd.s32 $0x20, s29;
	[tilespmem:v5+s20+$0x0] =	vst.idx.msk $0xffff, v4  }
.LBB2_21:
0xf0: {  	s28 =	sadd.s32 $0x1, s26  }
0xf1: {  	p4 =	sge.u32 s28, s6  }
0xf2: {  	s1 =	sshrl.u32 @!p4 s28, $0x3  }
0xf3: {  	s29 =	sshll.u32 @!p4 s28, $0x7;
	s1 =	smul.u32 @!p4 $0xC3800, s1  }
0xf4: {  	s29 =	sand.u32 @!p4 $0x380, s29  }
0xf5: {  	s1 =	sor.u32 @!p4 s29, s1  }
0xf6: {  	s30 =	simm.s32 @!p4 $0x400;
	s31 =	simm.s32 @!p4 $0x0;
	s1 =	sshrl.u32 @!p4 s1, $0x3  }
.Ltmp14:
0xf7: {  	s29 =	simm.s32 @!p4 $0x80;
	s1 =	sadd.s32 @!p4 s2, s1;
	(pc) =	sbr.rel @p3 .LBB2_24-.Ltmp14, $4  }
0xf8: {  	[tilespmem:s31], [sflag:$0x1] =	stream.strided.gather @!p4 [hbm4b:s1+s29], $0xC380, s30, s29, $0x38;
	[tilespmem:$0x1E980] =	vst v63  }
0xf9: {  	_ =	swait.ge [sflag:s21], $0xC380  }
0xfa: {  	[sflag:s21] =	ssyncset.done $0x0  }
0xfb: {  	[sflag:s21] =	ssyncadd.s32 $0xFFFF3C80  }
0xfc: {  	s29 =	simm.s32 $0x1C890;
	s30 =	simm.s32 $0x1B810;
	s31 =	smov.u32 s25  }
.LBB2_23:
0xfd: {  	v4 =	vld [tilespmem:s30+$0xFFFFFFF0];
	_ =	sdelay $0x4  }
0xfe: {  	v5 =	vld [tilespmem:s29+$0xFFFFFFF0];
	_ =	sdelay $0x2  }
0xff: {  	v4 =	vld.idx.msk [tilespmem:v4+s18+$0x0], $0xffff;
	_ =	sdelay $0x4  }
0x100: {  	[tilespmem:v5+s20+$0x0] =	vst.idx.msk $0xffff, v4  }
0x101: {  	v4 =	vld [tilespmem:s30+$0x0];
	_ =	sdelay $0x4  }
0x102: {  	v5 =	vld [tilespmem:s29+$0x0];
	_ =	sdelay $0x2  }
0x103: {  	p5 =	sne.s32 s31, $0x1;
	v4 =	vld.idx.msk [tilespmem:v4+s18+$0x0], $0xffff  }
.Ltmp15:
0x104: {  	_ = 	snop;
	(pc) =	sbr.rel @p5 .LBB2_23-.Ltmp15, $2  }
0x105: {  	_ =	sdelay $0x2  }
0x106: {  	s31 =	sadd.s32 $0xFFFFFFFF, s31;
	s29 =	sadd.s32 $0x20, s29;
	s30 =	sadd.s32 $0x20, s30;
	[tilespmem:v5+s20+$0x0] =	vst.idx.msk $0xffff, v4  }
.LBB2_24:
.Ltmp16:
0x107: {  	(pc) =	sbr.rel @p4 .LBB2_26-.Ltmp16, $3  }
0x108: {  	_ =	sdelay $0x1  }
0x109: {  	s1 =	sshll.u32 s26, $0x7  }
0x10a: {  	s29 =	sand.u32 $0x380, s1  }
0x10b: {  	s1 =	sshrl.u32 s28, $0x3  }
0x10c: {  	s30 =	sshll.u32 s28, $0x7;
	s1 =	smul.u32 $0xC3800, s1  }
0x10d: {  	s30 =	sand.u32 $0x380, s30  }
0x10e: {  	s1 =	sor.u32 s30, s1  }
0x10f: {  	s1 =	sadd.s32 $0x61C00, s1  }
0x110: {  	s1 =	sshrl.u32 s1, $0x3  }
0x111: {  	s31 =	sshll.u32 s26, $0xC;
	s1 =	sadd.s32 s2, s1  }
0x112: {  	[tilespmem:s18], [sflag:$0x2] =	stream.strided.gather [hbm4b:s1+s15], $0xC380, s16, s15, $0x38;
	[tilespmem:$0x1E980] =	vst v63  }
.Ltmp17:
0x113: {  	s1 =	sand.u32 $0x7FFF8000, s31;
	(pc) =	sbr.rel .LBB2_18-.Ltmp17, $4  }
0x114: {  	s1 =	sor.u32 s29, s1  }
0x115: {  	s1 =	sshrl.u32 s1, $0x3  }
0x116: {  	s26 =	smov.u32 s28;
	s1 =	sadd.s32 s5, s1  }
0x117: {  	[hbm4b:s1+s15] =	stream.strided.scatter [tilespmem:s20], [sflag:$0x3], $0x1000, s16, s15, $0x38;
	[tilespmem:$0x1E980] =	vst v63  }
.LBB2_28:
0x118: {  	_ =	sfence.sel $0x180000  }
0x119: {  	[bflag:$0x0] =	sbarrier.arrive $0xFFFF  }
0x11a: {  	_ =	strace $0x90000047  }
0x11b: {  	[bflag:$0x2] =	sbarrier.arrive $0xFFFF  }
0x11c: {  	p0 =	sne.s32 s0, $0x0;
	s0 =	rddreg [dreg:$0x3]  }
0x11d: {  	s0 =	sadd.s32 @!p0 $0x100000, s0  }
0x11e: {  	[sflag:s0] =	ssyncadd.tile.s32 @!p0 $0x1;
	_ =	shalt  }
.Lfunc_end2:
_tile_overlayer_lowered:
.L_overlay_start_2:
0x11f: {  	(tag) =	ssettag $0x2  }
0x120: {  	s0 =	rddreg [dreg:$0x0];
	s2 =	stileid.u32  }
0x121: {  	s1 =	rddreg [dreg:$0x1];
	p0 =	sne.s32 s2, $0x0  }
0x122: {  	s3 =	rddreg [dreg:$0x2];
	[bflag:$0x3] =	sbarrier.arrive $0xFFFF;
	s2 =	simm.s32 @!p0 $0x1C04  }
0x123: {  	[timem:s3], [sflag:s2] =	dma.local @!p0 [hbm:s0], s1  }
0x124: {  	s0 =	simm.s32 @!p0 $0x4  }
0x125: {  	_ =	swait.ge @!p0 [sflag:s0], s1  }
0x126: {  	s1 =	ssub.s32 @!p0 $0x0, s1;
	[sflag:s0] =	ssyncset.done @!p0 $0x0  }
0x127: {  	[sflag:s0] =	ssyncadd.s32 @!p0 s1  }
0x128: {  	[bflag:$0x3] =	sbarrier.arrive $0xFFFF  }
0x129: {  	_ =	shalt  }

</sc_bundles>
